<compile_context>
chip_gen: v7x
topology: tpu7x:2x2x1
jax: 0.10.2.dev20260603
libtpu: 0.0.44.dev20260713+nightly
codegen_flags: <defaults>
</compile_context>

<pallas_src>
import base64
import functools
import zlib

import jax
import jax.numpy as jnp
import numpy as np
from jax import lax
from jax.experimental import pallas as pl
from jax.experimental.pallas import tpu as pltpu
from jax.experimental.pallas import tpu_sc as plsc

BATCH = 32
N_IN = 16384
N_OUT = 4096
CH = 3
NC = 2
NS = 16

_IDX_B64 = (
    "eNoN0AVj2gjDAGACgRCcBAgSnOASggQIgbm7de+8k3Y3d+vcpZ3c3LWz7ra7uWtnN7fOpXO7uev3PT/hobNa637FA26B/Ssz"
    "2KkiZ8eu8p97RnlLuCLzMlcVYTvqmT0XDset2TpJhamus2GyD9FLvUR1zjEtNYCzmryvOu85okUttaHpcpvwrvIku4JpTVs0"
    "tzQ23zM/bjjHKRV9io817bRooPHKc8rmoZXJMaLdlNUwPviU/xdudpQrMTYown0lWA/TccmFcDbxztac6AfM1k8MFVj6W3hx"
    "hliW3cgoDS9cB1VvVA7jeJsi9Uuxh9a51Wyv4FNYGL7sKjA+imoFYelX/inBaHkivdFbSVBLSKZqGKvRUbgxvJ9tIRkQuwWM"
    "QV5SI/Bx8d/MC3iJGiOa4mOJXfp71BXpq3RQb8UIFSe9XzszMxunbAbhs4zBJ2EMhvPILmy1uyawIzU224QdnuZJHvAloib8"
    "x+xHl9cmiToU/yoc0lu6i+YMMyj7WXuZKNVHVGtsnSUXXHJ7QPQ6ejacAEoTZ4FnjtueX1Q1eVXwCxux11FfFyht+eLfTqFw"
    "fTCH95dmnRa2t5J3Ud00lGqWUr2prehYshHRG/w7YpB3yJbw6qGzLFbuMxgg/062Sg3nYBnIPJe3kZQIDlC3nXpyFLnY4MQi"
    "TIvIIB0iPyob4rlNHsus1Q/TT6PrEgf9P51v1TsjB6JMwiy/kfiUmMXioprS3pw61t6KuYkGpsMmyKciZvtnUrjgkCGNAHzA"
    "XmK6i6WjBQLStis6jq6HCDk5igW2D0G/vjku1/eTv9BOJGcFh6Zv25q6jke7cKt4CgJHPGFNc6PN4dG43Vz4t6S3aaDjjfa4"
    "cl30jvW9sTXxkw+mlNnW/O3kEaUDasHusV3OOEwTsFX2kKtxijGBEp4Tk80BjXE7s8JAWmJQb5Um4koj2Z2ye2lUnPJNj4SD"
    "ntAp2UCDlNqcuWp4bx2n3ZEmKJdtgK2tPpezSZeDlCpgMxbsi9ZPvAgcSdXh2JzvtA1tz1Ma5VHX6ugVxxJ5TeKzbZbpraBQ"
    "d1mWwIcmbqMOphV43FbT0Dmd49+sfsd69XViVbT7hNNlq1WH/VrzEihqqKq5rDmMiDwTiT7KKPLEO8SVJVq4G0EPhMO5CW+R"
    "EPZWlHEJh/m2/3JwJCYw1eIKdE19K5mmbFVHHq8ofsbYMDwrowT30mxgJJ5rehz9nZkUuJM65L6CfWT/DQV5c8NVxE4y6cpT"
    "diYZdLl5ln+luZl7vc0uGSz+Bk6CJbIQ96tNbObJ6EwnRw7shj7xP0EUZ6qmTpoVSTmDhJe43aMPw4WaZTohqkB8mZW6C5TX"
    "cS2ktqhJChtNtuYOA8uzeyUTnBPDW7zrnUa4o68LXmZY6NcgfTI/ROfwJL5Iv8tMu4qjd0ytsytErzR8L0+6V4TwRsRqRnfA"
    "OvI8+0V4VXJfE4ykU9PVdRJqkCAaZY+4EMsybC7Wk2nl/gOKYMtCDxyH9AVxF5iUSqwduWuBWrL1FgOooy9T0gDhfxqc7Nvs"
    "mGsFtZfF+yQT7Hnp11yh+l8gbs9RzSK7ywYG/aqfvnzbgsRPdnq4LjhIsIj3wrbPslPT29M9fD9+NnYvakzmyhuZ+wiHwAbL"
    "b/o3otDWsJXQfQQ1EjH8Jc5FvQSYRqG4/JylfqCVpzP3G2egdCFZWfsXcNP0FDmX/sks5BYDmOAv5XnTNP3i1GzeE3t75kzq"
    "RrjUk59JYs1tYzXtqXe+Wpxr6XtqEr2pOWvfQEHRRz4icxwfqRVBO5krzruqkymHfmGmhKoXGywQKSbq26on27oCTXw291Le"
    "dPiB5pfzIz2aHcQrpEtNQzNLwiJ0FDDe9xR7IYphSajcOji4nt0ObjE/ifZg2vhu4hpgpbRiWGZ+oL0DjMnQhjccg0pu/EO3"
    "KXso8gfjshYlj3IXwNekExSbBHVC9fhLvEPVZw19FXW4hKhiTKeqk92sDWKnPO/VYviZO+yOGP6RtTIezW6NP7X+h6W9J60K"
    "2U76LTk02UVJBQ9BqDGejTjrI3utt2x7eTnGj85+Uil5X1TPmxHb418kOwxg9lJkvN8QWyDOUYqZFtIRhpFCc9gUmR1dLKlt"
    "H5F9ji9V9fJS1m3SFFhKDFJtyGj4sPx0Mld2GG5geYXdRpZaagraRRyYOvCIl2B+uPrhU/AhmopW0iqjXghfKwIemSac1Mi7"
    "BSc6W+DHjITilW6lm462EJySD4KauofE7kkGmANeo7ZBwGgeqRqGlhlHC2t40vxMJo5UAttwr2ePoSHdvkj/7DNAZ7b4ToQc"
    "1M7YkIwZGIdVpt5F/kaojNR3VU8S5diUeK/oDroVJ00ioUfGPcFTQdz6i1mmRpG7kj+pWcrSgEJ9WtyLyGem2qv4rwGTot4M"
    "or2J1MteYW5IhkiYdPvQaaaPHGYQwTHZFvU9tj3wVjxCdDadb10qLzW3FI1J/LZ2c1QOz9BfgbepiqG86EVMAl5OrbY8J1ql"
    "izx1JGb0leIGMJDTP/Yb6mizhzcTAxhaVsfexalN/+M4TChjhcQPMY3ui8YsJRGZZJJrhaVi0ho5ZClmvpKVvUuQd9guZoYG"
    "9D4OPVfyogvFKetv/X4NJZ0fkkoHiE2KremLaGX4gHy85318lrEPledaqT2m3y44bymLQYLveEOvK7uLs537FEyq/nW0SvQB"
    "r1N5Dj/Yn+AIixxtJeVqKTqBs4THoVfGD6WXa/sxTcklyQfQWmK/MpN6pVqFHdeeZVT4R4YIMcJcFBP+kF/nEbqxlEH5LTMX"
    "7e1cD5QhqHCacQYJyZ+mdiMXjV9cha4V/HnY31RTicW1iR5BvuUM4H5F1sE97VKRFioFRxNTYvWBVfI3vqT3I3JA+Uz/p2Uv"
    "ViG5J4VY52R/uI3pKdaT2Dn2uKsb0F13T1VV/cR0Tc3z/UZVNojnjYxA/s1eVkTEVqpnYjkxHu1Hv8LvpxPcaFIqE/u++xrF"
    "F1jOYC+V1UwN8Amy5ZyX4TmIkfcwsczRSIvjFcy90PnOHdSW4IVoEdsAahy645vunhkeDo5laNsivKW3r1DC/6SFRC7FYu/H"
    "4BtzibkPLohXgrdITSTB/uRNjjxJLON0NWzUwNFtsQ+4PQni74S1Ccj6XzxXsQtewb4ztGWLxBPtK2QXoH7J+e7XomveTNif"
    "eOgZYG/gnWe+KftlbiW4DCOeFopOWZDKcnsZG7J/y+OGffIbzHz/Nq9E2Ar4ZRLrKqlY51v0uZsSDqRDsXnANHicpZS33GCi"
    "a4s2e1lwM1ZDs94Tzm6k7uvXEBp9fnqClxN7Ewrw5yQ+KEZrivgf/DD+h5cmXIaBoXLbe/9VTO38x1LBkhfBMU7WITusOGMr"
    "SEHc+WhVWdzY1L7Q6CQWaxvAXsEhzlnsHNaArIg+1tQyPUfz4lX15+n1rsqO95xa2vyAPXTYs0ax1PksKJC0QJQpDa9MeNDb"
    "OSTyLydJI+BJUaBtlcMd6mioHm+a2UAW+XLduxOd2VLabeRp6nusuoymF/cgkRtR6S3kGuw+8Dy5N9w1utMpNQw2W5M69Za4"
    "KnDR8Yf4XmgL3RQcFS3WN7EdIZWE2nAAYe06Lh8uIeqJAP8Foov0TNgBjsmeif/t2eQbLvsnONt8yKuRTDQPtzaI0p4emqXS"
    "75ICmgMWqH9my6kHsbWCM45REiDCQ45FWoXv6CcJesDFWEf0sL6T7BMn19fa29lQSdYYe5yZCq02/52qI8uaFidqqkHrT700"
    "tIjfBeayz3wim8Z1yaVULfDSpifudGwivEN1FWzuaePsKL9uL4mO4vQx3HADTAQkxClBwnkMzzNu9ZVZ8oMlqQO2DkYu4hHa"
    "/RN0Az3n6Eq8Pbr5omv6F6bdsRHEAfVTwQn4q3dyQsOKgCPW65artknMztC/4jJ/Tryv+zT0lBhMuJSMaz/R1vTANcmShk8o"
    "S5Q3kJP8pbgVyET2BqbavurgyAnpatdk7wdLd+sJ7sbsIJMcr0O2D0z03kxFdFtF7xkkFQIBZKj7gn5FaoGyoamijRfumtrm"
    "qe3YFjpAvwW1cFGIZWOUgcrHJdnPoiLe/lBG/db+PLhI+B98RluifsUtBKuLeTqte1d8ov+h/at1uqKqVYmvzl7HRCkqxurO"
    "uDsSMuNm6RPtePKy/6Bjcbylsb6ko/RAqNCnEoP+jdByHeDbmbnEnJTt1Taz1tVOlOlDy6Wl1Cu5U7jevyU136VJjNdUNaqN"
    "VodH8IzYzmvmu6vNkx1SNhMsoluKddEXsZT7ID0zavC8CrVToLoXjCL+MV0v+cTxXbReOk9aZC1OJIg5Eol+Rnin1actIbtx"
    "u4OjgY3WM2BULebX9AbTXb2jeHXcC9FmotNaQLYFT8jvuzvJc0NziCnwJUFSNyKzFAL0h9hXkDLziCjmVjFsVa+XmzK5+A5E"
    "6RudfiJ8h2/XZfnn4IaBROyCYC0zgSv3vsF5rnWG4ZnOwQH8DdoIVE9dyXRXfcy0MFLf8qdqReCzamh8DV0RGyXo5jOmjqAP"
    "qN2pwdjdVE8PT1SYini5sgPZzcp1kZ+KVXDa2QurQutMRYxKtCT+28WRF4bFEOpu7Y/xeoT+in3M3FNOZf8S1cgMDT8T6sQ7"
    "sPu2hvy4szBRNTMc2wq79WuST4JbVDUU7byTaW56r78Z2CXVKXQ/tjpdFmjGnFfu8V+zPdUf51wKdYEKeahkJQlyJwStvNpw"
    "SahQ2jdQoOpieKh4JB2qfRt4m+Ljn817E61lqkRN7W5uP3Urf/NYB0bv/pjoq7li3wDdRUigtc3EKzA14v8hNMuOZAP0E2mZ"
    "95mxsbODZQt8HxwnjQP9yXzZad02/WVl/Ww7uqW7FhpDLJG4t7uBo/+fC8hOiEZSr71fqIzMKXZGvjoPYSnD/wwR7byAPvU1"
    "0sF20L4vtpSYl0CizZMD3EFVXkqp6SWPm1uGVnMOuLTZTuJ+NgP6Fd+KlOt3hC14Y9FqoB08MdgRM3NrqRoDObZ8VZFgpX2e"
    "Ymtgf2xxaIW3pekBO8f62S9PZmOvU3OVORE7l0CHxR6Jn2SPyi96bqHaoCU5z9OPf8G8S9kOURnh+Hdbvcwnc1vBlcQR39Tg"
    "WmnSvRzmY611naBycoraENjs/GEKmaPYrRgl2GzTBwWuKmHWy1N8oyCDMNpHfwuu4b0gGiizO8bZJmR92BZnV2KoZYz2azCm"
    "WpJV2os4DajDgmjIDl5napquAv0iiGlY8pW0DN7D7gQ+k+XyK8L+3gGSb+4TCgUVShRym+DPJG5zS3l9twVcLj6pqp6aCYuY"
    "q8b7cI103P86VBgbryvUT4hIEkfYF5k71FC0XmCyJFffgb5I7BS1hs7x/7S18UzlTEyFDfdds3SjxPvdNyX8NBd/D/jIbqJn"
    "vMrKGlRDlPKscXQM1tZtTPqzRd7LQDDcXXlASNhKNG11LQN7pWKinX1hmBGsjZS49+vfuiThYOK4byq6J1ykfaI8nS2LV3GV"
    "6S6qLlpuEHOUy6hWvjb26/K9kTKFw7OZaaAo0G02t5Gujo9U1nP5PadYn+torA2tjo/xr4iVWhuSq5yHLSHHCMEFtdKM2d8w"
    "50WLsgPTI20LDATP5SdkD9Al3M+uNamw/D/pAUWEByL1uYBoTIpjH61cBbY0Q8a3zubkWt/ptFwx09xc8SS9L/6Pm4Mcwnew"
    "Z03G8F4TnnFENJmLckrfDbqTbWgpDC0BerM9RVMic4x2TYYWu74wnaXn0Asxi+Qgp7G8og5jrJ4TnCe6Y9yO0Zij0Hk8a1JW"
    "gTxMbbo2O1tUZGxjIzRjkubIjWiu1Z38Eu4iruYtgDZFzlgL3W3FqVhH4QuS485Xv85MlXX2bHFUwVSIytQaLtMqeEcFv4Jf"
    "ovccf1Eb/f3MtZXrhWuMH9Ar3G2S6vKUZ2TkUfI61NHehthjb8wrAd7RoLuMK9T9F6ju40u/0aM0XfkfBPmwzrXdKQ5NUa2z"
    "VlNU5G0AqsVdTFr4mxwQfY31tp7i/89xwbBI5/JMdp+grnkqCNnUa3MRdkj1wrIxqCFma64p7gXqxtYlXkRHpSUamlnveOAz"
    "GQzZN+6/9e3jaeBLxKlpItuuuKWdI3okiEPV7FK1iX8m1DtWKLgYhVWtI9WdIyEht5lpBqV3huALwEvULi2it1nqiXMdU73v"
    "3GJnE+1fYj87Ol7RXkk737DRM0b/M/AmfNe3MztVmMeqmTxmD/cuuVmCMwclXOxDCGLEABMdwbZ2FnoqwlcyDeHegRL/tsQ6"
    "/3yiIJtFq1i3UytV+zSVXA3td+GhdA3oA8boGmTXwmvRu5qjfq/5kjQmDUjllk0xpXgf6cKu+t/wzU4rPc45N6I0jRfX9c3U"
    "XY53Cr5JVtF9kW403bGsjy9HFxCvjU25c+33dY0Nu0yf+XGwg/idV0tC+Ex+P4uLKzEXSHIs3/mlxu+C63SBdjXEamcB0vQe"
    "g8M1ljceHyKsa5llrRO9mP5kvxg3WoOhHpb39rlARUNd5Jv5vHoBVWyvGGrhfwGaYrfF0wJ6cTFZ7I/ZS9Gm6lWBNfoBvE2W"
    "49QrU1+uLt7T3E8TZneLajpuYFmax07mS0xuVam0m/ybfZH4GzqbmyOq4nirrWmtm16Bl+u+QYdSVamxQal3fmZ05h1Sgd9N"
    "KQxk5G7ajdZP3bVa4espRtzGzQk+Fn0y5iPD7Hze/HANerChf+act72YH97DyxA31H8ktxDNLK2yBd75QC3ea+C1i1SF5Pst"
    "DaybhW+8IVV/BR77GvLYDkZIUS8JYWezI3SdTDdExRKNerLxqHuVTphcCz3SjdBXt3AT22UzgOGSAWgjWbXoddk9Wq+Z4F/I"
    "u8B77J2F3/J2ixWAI/xT5TfdwxVj6LbYC0G+pdj6NL46Wc39D/09zEoXoKdghyXknQrMTAdwWXBxNJccaXjjH6RRcIYz9SyH"
    "iNmhmcKqoXeeM0GQTYMR313TQ/PTtE4zWHjU2ljJUXHw3e57mBNdJliFnEmcJE4k2EwN6/usHgxyu9ogrK0XzXygNvjnkxBc"
    "7Drn70B9QlP0SbShUxauJflolOCYcwbykjPfjKeN4s8CkfaASusJyeSyvl4Mf8u+EA/DxelxJr+zpd8RRBXy2KzkUc6/+p3y"
    "ZdJ+KZ7qQ2SB60ZkCvOfs6PiZBrnvzTfoS/aWoOdtE8NOZkv6jvSNXYqsV2UJ6L9b2Mnpb0dMpkhOsb00N1R3MmSDF+HX4V3"
    "uKuTux2HEH8oGaOxWoqb3p/0KIUIzkJLtbCxnNPflGcaLxuEtjF11lKyHY6Hqm7gads++0BYBuOW9pZL6UimFmVkFvAac6al"
    "e1pop8Fe1TNbu0403LlM28CwKd1RdSkKBbLpeeGwtmUiGdqrGGQ+EPnNu4QlIsv9Q9gZqp1wNf5ETVthzXSzZG2eWQMaHMBg"
    "5QdvCb8oC2TaKJPBHc7rwsfK40KPcyFUR1UE6U0/hU1tlbnHOHNNq/35xi/cO7E6qC/ySbU9tI9q6XqEh62gsT3tBDXeF5zr"
    "8cH4dDRfwOfetufzBrt9qpWai0gZ2dn1UbuCHuav6P2J9gK0IpydImvC25tuQJTbKyMnMKv6DHnI3pyjMQhda0V12YKgS9Aj"
    "3tSw26PyqdyPTJ3MvtDrREzwJbBbeZ07OTwlUdn3GVmsjLinCIsVnTUK85+SMt7MYOXENCsrU9M9DVv8/dER7iQIpc38Jm6F"
    "I8RxBBpmnbHxkceBneERwpfB6nCepy82Fs8HEV858Nzsc9y0MYp67Esdnfgl6ONvyTlJTvF0Vb8ObAgWZnOCbRSHXFPsxyTj"
    "FUNUSxW99SBwGNBYLqmz/ifWtjgbqeRckh7HnyvhSISyTdILbiVsFLbMOL03FIs9K6Fn0f1CC/BD8B69ZXounAWNhuXRKtRB"
    "Yx41UVKanKRWE9V1vsDN6A/ftGSb2GvnOP8+pU3ZluxrtnHNhiGMIFAIW9iTsUnJ2qkr/kZkb8NMbLKoWcToXGvtDAzXOR29"
    "ifvBSu47sq+as/KbQEXzDO0wqoKut+wXEGdueWKSGdbl4RdYgudw/0f+itbzvNFX9c/OUBKLrQXwIzAL/m1bHn8bVMb1gQec"
    "ZmRzXzvAG6ThQeoM2NPooJcFrfw/+XWoYmJE8jJ/FPPUwXdSJJJpG3wTLQ78zDjUNzhdkS/iV+rG7k7KsYhfRwoKwlt1cro9"
    "2im+XttashCskFieLnXWcv3Ah9r3hrjxMD5TckeyxDQXqZXqJ27Mn6t4qq3r38557N5uDARmuT/I7wgirusKseC7sGv4iOMR"
    "5SWLpG1DUnos94pmSnp/+Jt0j9WSjvn3ii1iE5rREeHZgJ6eL8nqtpq7s2l1TZ3SdTRVDl9VrBAXxqP8Ge4zOMIM1+wGG3HP"
    "mE/6x6ki0k7gNSUAaYXxyCp0KrgM6QF5hefcpzIVRVfwDK+mudhz3D8vvoLTJnpR29u7lMkBj/iH+q56cqIXFeckTl/K1NCV"
    "71/gr8k/jZBBOxpzCgS7g58CBlfTkBa9H+2jyFOfcKQcH8OteRJeF+Nv3+PEAmAIuZb7QRcA/6d6x8gpXZgSf3VNSm3W54r2"
    "q6dKm2MnuUblAQaUH0l+JpwAlZSoPon2sXxlvr6m5YhzcLwJUxZZpamGNUre9YxRIYHO2AR9BedsywP8vmWHn7C8sPcwO+3H"
    "4b/5u9RJ23/pNuBJ3o/IbdM6hVY2UuAg34tHqj9ma+s95tWxMxwLjYgW+y8kqiePslqfCZujfehfmTkoHKpi9fugtc6D6DRn"
    "tcgezVkja5srD6Im/UDjMOdCRXeRjpNkfuoOCEhzCTzUe5cZgZWnz/I3ePqoK6VW8g+AKnV1UR9EIG/M3YQ3FzYQbuWeQm7Z"
    "n6efcD2+XYls4KeqA+eR00dsDMyIIprcxAbBVV535z5tKSeDiqx1bE2CkazC9jJ+Hfmi+lN+TLiOc1Q7QtY+eU03XrI/QMa4"
    "kjHkMfa8b54sq8yl7/kXEbukz6By4XlqWWqbXxfrx+1PVQ7+5zsCPfI6oWLNLP260ItkqW6+bhW90vBntEqkWElm0m6957z/"
    "zwADnaAxVQ6xH41Ke9JneSf0SgZgx1sfellj1r4NCgTXuIYkOpA8uzF4OjpBwg1V401XjVBxXG/lGD3blSOfDQ+KNKFshpS8"
    "IvglM4x8yWWZ/zKXvR6DmtvLydMHwmv8E/gJ3SLb4vQhT3+QdjeWetQDyI10Hf1Rx2XyorWV1KXpg+6yz/Aj8QdATqC2eypP"
    "at8jX6+bmVoGHsX3JHGgsozPlrPRWFedSm43bRTMRx4gq20cc75Xy++T3WHOsW4mF/ksSAt+b6hn9CW8KmaSGzgQv6WyPPY/"
    "enjgJi2wtMxuSa7Ew2gbCAnXcNdTRBkv2NaQ7xovBzE6ZoTOk0eJvMQ8Yg72Wlrme6S5EPjh/Qvara4WyBP2wiswO5EEVBoW"
    "Wx5q78VO8KbQpxW3WDPiAyekNuljpqSiTL9JMYw1hAv4I7OnuCpgs/2VwBIYn+0dOW0tsY7n2aP/2vqLK1rU0E6BP1miM/K3"
    "Kk9ntkZPRmanFNmMtwxqiPPUjaKS0I/0J8P04F+usbYc5wRhU+XR9AZ53US7dDfqmAiN9wiodPMdfNAGlod0wGK8MtEZcUXs"
    "kdzsb2n72CPRlLAQ2MqbKfhorxUo5baz7nE95ADobf7pYF4yQ/5SxVmYmB2vEW0WG8RBZI/ttc251JfEGX+Z+XgmKFtqFsUW"
    "o5UyX2TJzHPB/WQfaXv/drnGKtBvtvS0oaZVwb4xLJLP6ZoNB4KGHcBlc3vFUHO+YZH3WewastfWxtjAsQSbEPqUwWKtdBeM"
    "afHSVGP1Oh+M9lYvwFtwF1mXKDryUVu3eBkzTraeO9e3FTgZX+KTEw+zHayVQvOhZ7L3itsWB/JOWQlYxn8nP8mo+aLoguwM"
    "zhIX5VoNBjAzO9iRTR3OvJfcUTZRFij/iMS0W5Qy3Cz6xzVALcQbadppxqb+Fq8x/+Z7gQGuRexb/TTUGX4MCaQHSRH4zv6M"
    "803QP+pjpwnXWKPkSfy9ew46MHyLZFHW8xBuLRyrlwVGR787Otv6iyZjA/RN4I66ZUBL/iK1wqoRbmfMWQtakF4KPiTinvem"
    "brJe8EiJ5/9j/4z/hB6DE7XVhfsTG5iHpqHSHqlyRyBWrNJi+c6+rt8Ovqhj5ivHJ6ghjCR76SqIqpia6Bn5DeNG2XW/VHcR"
    "zhPfsY9HRri2aF9b2XCr+DrlIJar/04ehsaypmiZ1WgqEN8Cf3K08qyqFTrcAztBe4CqJ98SaqhfkunlsITHJhYDbzS94gez"
    "Z4P75XvVjewdNUFFdf85ZCbkp35o/sc01udrGwtE5BXbtdRvbBL7iPmcIpJDDRwL3/OZlaQ1Wovzk6STbRw5OOTmmykEInmH"
    "6G+BZ3Qt3y8eCIKWt6bK4BVeIbnF3hN7FezMHEHaQtcCuer/A2cb6oc="
)
_IDX = np.frombuffer(
    zlib.decompress(base64.b64decode(_IDX_B64)), dtype=np.uint16
).astype(np.int32)

_mesh = plsc.VectorSubcoreMesh(core_axis_name="c", subcore_axis_name="s")


L = 16
BT = BATCH // 8
NT = N_IN // 128
OT = N_OUT // 128
HNT = NT // 2
QNT = NT // 4
HK = (N_OUT // L) // 2



@functools.partial(
    pl.kernel,
    mesh=_mesh,
    out_type=jax.ShapeDtypeStruct((CH * BT, OT, 8, 128), jnp.float32),
    scratch_types=[
        pltpu.VMEM((N_OUT,), jnp.int32),
        pltpu.VMEM((CH * NT, 128), jnp.float32),
        pltpu.VMEM((CH * OT, 128), jnp.float32),
    ] + [pltpu.SemaphoreType.DMA] * 7,
    compiler_params=pltpu.CompilerParams(
        needs_layout_passes=False,
        use_tc_tiling_on_sc=False,
        skip_device_barrier=True,
    ),
)
def _downsample_sc(pts_hbm, idx_hbm, out_hbm, idx_v, in_v, out_v, si, *sems):
    b = lax.axis_index("s") * NC + lax.axis_index("c")
    bt = b // 8
    bs = b % 8
    handles = [pltpu.async_copy(idx_hbm, idx_v, si)]
    for c in range(CH):
        for hh in range(2):
            handles.append(
                pltpu.async_copy(
                    pts_hbm.at[c * BT + bt, pl.ds(hh * HNT, HNT), bs, :],
                    in_v.at[pl.ds(c * NT + hh * HNT, HNT), :],
                    sems[2 * c + hh],
                )
            )
    for h in handles:
        h.wait()

    def body(k, carry):
        n = idx_v[pl.ds(k * L, L)]
        rows = jax.lax.shift_right_logical(n, 7)
        cols = jax.lax.bitwise_and(n, 127)
        orow = k // 8
        ocol = (k % 8) * L
        for c in range(CH):
            vals = plsc.load_gather(in_v, [rows + c * NT, cols])
            out_v[c * OT + orow, pl.ds(ocol, L)] = vals
        return carry

    lax.fori_loop(0, HK, body, 0, unroll=8)
    out_handles = []
    for c in range(CH):
        out_handles.append(
            pltpu.async_copy(
                out_v.at[pl.ds(c * OT, OT // 2), :],
                out_hbm.at[c * BT + bt, pl.ds(0, OT // 2), bs, :],
                sems[c],
            )
        )
    lax.fori_loop(HK, 2 * HK, body, 0, unroll=8)
    for c in range(CH):
        out_handles.append(
            pltpu.async_copy(
                out_v.at[pl.ds(c * OT + OT // 2, OT // 2), :],
                out_hbm.at[c * BT + bt, pl.ds(OT // 2, OT // 2), bs, :],
                sems[3 + c],
            )
        )
    for h in out_handles:
        h.wait()


def kernel(input_points):
    idx = jnp.asarray(_IDX)
    pts = (
        input_points.transpose(2, 0, 1)
        .reshape(CH, BT, 8, NT, 128)
        .transpose(0, 1, 3, 2, 4)
        .reshape(CH * BT, NT, 8, 128)
    )
    out = _downsample_sc(pts, idx)
    return (
        out.reshape(CH, BT, OT, 8, 128)
        .transpose(0, 1, 3, 2, 4)
        .reshape(CH, BATCH, N_OUT)
        .transpose(1, 2, 0)
    )

# --- scband reference (transcript-rebuilt; emitter-appended) ---
"""Pipeline reference for scband-point-cloud-handler-52836687675877 (READ-ONLY COPY).

The authoritative reference and input builder live on the scoring server;
editing this copy changes nothing except your own understanding.
"""

import jax, jax.numpy as jnp
import numpy as np

POINT_SEQ = [16384, 4096, 1024, 256]
BATCH = 32


def _random_downsample(points, num_points, key):
    # torch reference: idx = torch.randperm(N)[:num_points]; points[:, idx]
    n = points.shape[1]
    idx = jax.random.permutation(key, n)[:num_points]
    return jnp.take(points, idx, axis=1)


def setup_inputs(seed: int = 0) -> dict:
    key = jax.random.key(seed)
    input_points = jax.random.normal(key, (BATCH, POINT_SEQ[0], 3), dtype=jnp.float32)
    return {"input_points": input_points}


def reference(input_points):
    # PointCloudHandler.cache(input_points):
    #   assert input_points.shape[1] == point_seq[0]
    #   self._input_points = input_points
    #   self._output_points = point_map(input_points, point_seq[1])
    assert input_points.shape[1] == POINT_SEQ[0]
    ds_key = jax.random.key(42)  # fixed key stands in for torch randperm RNG state
    output_points = _random_downsample(input_points, POINT_SEQ[1], ds_key)
    # expose the cached (input, output) pair; output_points is the materialized result
    return output_points

if __name__ == "__main__":
    import jax
    _d = setup_inputs()
    print(jax.jit(kernel)(*tuple(_d.values())))

</pallas_src>

<mosaic_0001>
#map = affine_map<(d0, d1) -> (0, 0, 0, 0)>
#map1 = affine_map<(d0, d1) -> (0)>
module attributes {stable_mosaic.version = 14 : i64} {
  func.func @_downsample_sc(%arg0: i32, %arg1: i32, %arg2: memref<12x128x8x128xf32, #tpu.memory_space<hbm>>, %arg3: memref<4096xi32, #tpu.memory_space<hbm>>, %arg4: memref<12x32x8x128xf32, #tpu.memory_space<hbm>>, %arg5: memref<4096xi32, #tpu.memory_space<vmem>>, %arg6: memref<384x128xf32, #tpu.memory_space<vmem>>, %arg7: memref<96x128xf32, #tpu.memory_space<vmem>>, %arg8: memref<!tpu.dma_semaphore, #tpu.memory_space<semaphore_mem>>, %arg9: memref<!tpu.dma_semaphore, #tpu.memory_space<semaphore_mem>>, %arg10: memref<!tpu.dma_semaphore, #tpu.memory_space<semaphore_mem>>, %arg11: memref<!tpu.dma_semaphore, #tpu.memory_space<semaphore_mem>>, %arg12: memref<!tpu.dma_semaphore, #tpu.memory_space<semaphore_mem>>, %arg13: memref<!tpu.dma_semaphore, #tpu.memory_space<semaphore_mem>>, %arg14: memref<!tpu.dma_semaphore, #tpu.memory_space<semaphore_mem>>) attributes {dimension_semantics = [#tpu.dimension_semantics<core_parallel>, #tpu.dimension_semantics<subcore_parallel>], iteration_bounds = array<i64: 2, 16>, scalar_prefetch = 0 : i64, scratch_operands = 10 : i64, tpu.core_type = #tpu.core_type<sc_vector_subcore>, window_params = [{transform_indices = #map}, {transform_indices = #map1}, {transform_indices = #map}]} {
    %mul3A = arith.constant 2 : i32
    %mul3A_0 = arith.muli %arg1, %mul3A : i32
    %add3A = arith.addi %mul3A_0, %arg0 : i32
    %jit3A = arith.constant 8 : i32
    %div3A = arith.divsi %add3A, %jit3A : i32
    %sign3A = arith.constant 0 : i32
    %sign3A_1 = arith.cmpi sgt, %add3A, %sign3A : i32
    %sign3A_2 = arith.extui %sign3A_1 : i1 to i32
    %sign3A_3 = arith.constant 0 : i32
    %sign3A_4 = arith.cmpi slt, %add3A, %sign3A_3 : i32
    %sign3A_5 = arith.extui %sign3A_4 : i1 to i32
    %sign3A_6 = arith.subi %sign3A_2, %sign3A_5 : i32
    %sign3A_7 = arith.constant 0 : i32
    %sign3A_8 = arith.cmpi sgt, %jit3A, %sign3A_7 : i32
    %sign3A_9 = arith.extui %sign3A_8 : i1 to i32
    %sign3A_10 = arith.constant 0 : i32
    %sign3A_11 = arith.cmpi slt, %jit3A, %sign3A_10 : i32
    %sign3A_12 = arith.extui %sign3A_11 : i1 to i32
    %sign3A_13 = arith.subi %sign3A_9, %sign3A_12 : i32
    %ne3A = arith.cmpi ne, %sign3A_6, %sign3A_13 : i32
    %rem3A = arith.remsi %add3A, %jit3A : i32
    %ne3A_14 = arith.constant 0 : i32
    %ne3A_15 = arith.cmpi ne, %rem3A, %ne3A_14 : i32
    %and3A = arith.andi %ne3A, %ne3A_15 : i1
    %sub3A = arith.constant 1 : i32
    %sub3A_16 = arith.subi %div3A, %sub3A : i32
    %select_n3A = arith.select %and3A, %sub3A_16, %div3A : i32
    %jit3A_17 = arith.constant 8 : i32
    %eq3A = arith.constant 0 : i32
    %eq3A_18 = arith.cmpi eq, %jit3A_17, %eq3A : i32
    %jit3A_19 = arith.constant 1 : i32
    %select_n3A_20 = arith.select %eq3A_18, %jit3A_19, %jit3A_17 : i32
    %rem3A_21 = arith.remsi %add3A, %select_n3A_20 : i32
    %ne3A_22 = arith.constant 0 : i32
    %ne3A_23 = arith.cmpi ne, %rem3A_21, %ne3A_22 : i32
    %lt3A = arith.constant 0 : i32
    %lt3A_24 = arith.cmpi slt, %rem3A_21, %lt3A : i32
    %lt3A_25 = arith.constant 0 : i32
    %lt3A_26 = arith.cmpi slt, %select_n3A_20, %lt3A_25 : i32
    %ne3A_27 = arith.xori %lt3A_24, %lt3A_26 : i1
    %and3A_28 = arith.andi %ne3A_27, %ne3A_23 : i1
    %add3A_29 = arith.addi %rem3A_21, %select_n3A_20 : i32
    %select_n3A_30 = arith.select %and3A_28, %add3A_29, %rem3A_21 : i32
    tpu.enqueue_dma source(%arg3 : memref<4096xi32, #tpu.memory_space<hbm>>) target(%arg5 : memref<4096xi32, #tpu.memory_space<vmem>>) target_semaphore(%arg8 : memref<!tpu.dma_semaphore, #tpu.memory_space<semaphore_mem>>)
    %add3A_31 = arith.constant 0 : i32
    %add3A_32 = arith.addi %add3A_31, %select_n3A : i32
    %dma_start3A = arith.constant 0 : i32
    %dma_start3A_33 = arith.constant 0 : i32
    %dma_start3A_34 = tpu.memref_slice %arg6[%dma_start3A, %dma_start3A_33] : memref<384x128xf32, #tpu.memory_space<vmem>> -> memref<64x128xf32, #tpu.memory_space<vmem>>
    %dma_start3A_35 = arith.constant 0 : i32
    %dma_start3A_36 = arith.constant 0 : i32
    %dma_start3A_37 = tpu.memref_slice %arg2[%add3A_32, %dma_start3A_35, %select_n3A_30, %dma_start3A_36] : memref<12x128x8x128xf32, #tpu.memory_space<hbm>> -> memref<1x64x1x128xf32, #tpu.memory_space<hbm>>
    %dma_start3A_38 = tpu.memref_squeeze %dma_start3A_37 : memref<1x64x1x128xf32, #tpu.memory_space<hbm>> -> memref<64x128xf32, #tpu.memory_space<hbm>>
    %dma_start3A_39 = arith.constant 0 : i32
    %dma_start3A_40 = arith.constant 0 : i32
    %dma_start3A_41 = tpu.memref_slice %arg6[%dma_start3A_39, %dma_start3A_40] : memref<384x128xf32, #tpu.memory_space<vmem>> -> memref<64x128xf32, #tpu.memory_space<vmem>>
    %dma_start3A_42 = arith.constant 0 : i32
    %dma_start3A_43 = arith.constant 0 : i32
    %dma_start3A_44 = tpu.memref_slice %arg2[%add3A_32, %dma_start3A_42, %select_n3A_30, %dma_start3A_43] : memref<12x128x8x128xf32, #tpu.memory_space<hbm>> -> memref<1x64x1x128xf32, #tpu.memory_space<hbm>>
    %dma_start3A_45 = tpu.memref_squeeze %dma_start3A_44 : memref<1x64x1x128xf32, #tpu.memory_space<hbm>> -> memref<64x128xf32, #tpu.memory_space<hbm>>
    tpu.enqueue_dma source(%dma_start3A_45 : memref<64x128xf32, #tpu.memory_space<hbm>>) target(%dma_start3A_41 : memref<64x128xf32, #tpu.memory_space<vmem>>) target_semaphore(%arg9 : memref<!tpu.dma_semaphore, #tpu.memory_space<semaphore_mem>>)
    %add3A_46 = arith.constant 0 : i32
    %add3A_47 = arith.addi %add3A_46, %select_n3A : i32
    %dma_start3A_48 = arith.constant 64 : i32
    %dma_start3A_49 = arith.constant 0 : i32
    %dma_start3A_50 = tpu.memref_slice %arg6[%dma_start3A_48, %dma_start3A_49] : memref<384x128xf32, #tpu.memory_space<vmem>> -> memref<64x128xf32, #tpu.memory_space<vmem>>
    %dma_start3A_51 = arith.constant 64 : i32
    %dma_start3A_52 = arith.constant 0 : i32
    %dma_start3A_53 = tpu.memref_slice %arg2[%add3A_47, %dma_start3A_51, %select_n3A_30, %dma_start3A_52] : memref<12x128x8x128xf32, #tpu.memory_space<hbm>> -> memref<1x64x1x128xf32, #tpu.memory_space<hbm>>
    %dma_start3A_54 = tpu.memref_squeeze %dma_start3A_53 : memref<1x64x1x128xf32, #tpu.memory_space<hbm>> -> memref<64x128xf32, #tpu.memory_space<hbm>>
    %dma_start3A_55 = arith.constant 64 : i32
    %dma_start3A_56 = arith.constant 0 : i32
    %dma_start3A_57 = tpu.memref_slice %arg6[%dma_start3A_55, %dma_start3A_56] : memref<384x128xf32, #tpu.memory_space<vmem>> -> memref<64x128xf32, #tpu.memory_space<vmem>>
    %dma_start3A_58 = arith.constant 64 : i32
    %dma_start3A_59 = arith.constant 0 : i32
    %dma_start3A_60 = tpu.memref_slice %arg2[%add3A_47, %dma_start3A_58, %select_n3A_30, %dma_start3A_59] : memref<12x128x8x128xf32, #tpu.memory_space<hbm>> -> memref<1x64x1x128xf32, #tpu.memory_space<hbm>>
    %dma_start3A_61 = tpu.memref_squeeze %dma_start3A_60 : memref<1x64x1x128xf32, #tpu.memory_space<hbm>> -> memref<64x128xf32, #tpu.memory_space<hbm>>
    tpu.enqueue_dma source(%dma_start3A_61 : memref<64x128xf32, #tpu.memory_space<hbm>>) target(%dma_start3A_57 : memref<64x128xf32, #tpu.memory_space<vmem>>) target_semaphore(%arg10 : memref<!tpu.dma_semaphore, #tpu.memory_space<semaphore_mem>>)
    %add3A_62 = arith.constant 4 : i32
    %add3A_63 = arith.addi %add3A_62, %select_n3A : i32
    %dma_start3A_64 = arith.constant 128 : i32
    %dma_start3A_65 = arith.constant 0 : i32
    %dma_start3A_66 = tpu.memref_slice %arg6[%dma_start3A_64, %dma_start3A_65] : memref<384x128xf32, #tpu.memory_space<vmem>> -> memref<64x128xf32, #tpu.memory_space<vmem>>
    %dma_start3A_67 = arith.constant 0 : i32
    %dma_start3A_68 = arith.constant 0 : i32
    %dma_start3A_69 = tpu.memref_slice %arg2[%add3A_63, %dma_start3A_67, %select_n3A_30, %dma_start3A_68] : memref<12x128x8x128xf32, #tpu.memory_space<hbm>> -> memref<1x64x1x128xf32, #tpu.memory_space<hbm>>
    %dma_start3A_70 = tpu.memref_squeeze %dma_start3A_69 : memref<1x64x1x128xf32, #tpu.memory_space<hbm>> -> memref<64x128xf32, #tpu.memory_space<hbm>>
    %dma_start3A_71 = arith.constant 128 : i32
    %dma_start3A_72 = arith.constant 0 : i32
    %dma_start3A_73 = tpu.memref_slice %arg6[%dma_start3A_71, %dma_start3A_72] : memref<384x128xf32, #tpu.memory_space<vmem>> -> memref<64x128xf32, #tpu.memory_space<vmem>>
    %dma_start3A_74 = arith.constant 0 : i32
    %dma_start3A_75 = arith.constant 0 : i32
    %dma_start3A_76 = tpu.memref_slice %arg2[%add3A_63, %dma_start3A_74, %select_n3A_30, %dma_start3A_75] : memref<12x128x8x128xf32, #tpu.memory_space<hbm>> -> memref<1x64x1x128xf32, #tpu.memory_space<hbm>>
    %dma_start3A_77 = tpu.memref_squeeze %dma_start3A_76 : memref<1x64x1x128xf32, #tpu.memory_space<hbm>> -> memref<64x128xf32, #tpu.memory_space<hbm>>
    tpu.enqueue_dma source(%dma_start3A_77 : memref<64x128xf32, #tpu.memory_space<hbm>>) target(%dma_start3A_73 : memref<64x128xf32, #tpu.memory_space<vmem>>) target_semaphore(%arg11 : memref<!tpu.dma_semaphore, #tpu.memory_space<semaphore_mem>>)
    %add3A_78 = arith.constant 4 : i32
    %add3A_79 = arith.addi %add3A_78, %select_n3A : i32
    %dma_start3A_80 = arith.constant 192 : i32
    %dma_start3A_81 = arith.constant 0 : i32
    %dma_start3A_82 = tpu.memref_slice %arg6[%dma_start3A_80, %dma_start3A_81] : memref<384x128xf32, #tpu.memory_space<vmem>> -> memref<64x128xf32, #tpu.memory_space<vmem>>
    %dma_start3A_83 = arith.constant 64 : i32
    %dma_start3A_84 = arith.constant 0 : i32
    %dma_start3A_85 = tpu.memref_slice %arg2[%add3A_79, %dma_start3A_83, %select_n3A_30, %dma_start3A_84] : memref<12x128x8x128xf32, #tpu.memory_space<hbm>> -> memref<1x64x1x128xf32, #tpu.memory_space<hbm>>
    %dma_start3A_86 = tpu.memref_squeeze %dma_start3A_85 : memref<1x64x1x128xf32, #tpu.memory_space<hbm>> -> memref<64x128xf32, #tpu.memory_space<hbm>>
    %dma_start3A_87 = arith.constant 192 : i32
    %dma_start3A_88 = arith.constant 0 : i32
    %dma_start3A_89 = tpu.memref_slice %arg6[%dma_start3A_87, %dma_start3A_88] : memref<384x128xf32, #tpu.memory_space<vmem>> -> memref<64x128xf32, #tpu.memory_space<vmem>>
    %dma_start3A_90 = arith.constant 64 : i32
    %dma_start3A_91 = arith.constant 0 : i32
    %dma_start3A_92 = tpu.memref_slice %arg2[%add3A_79, %dma_start3A_90, %select_n3A_30, %dma_start3A_91] : memref<12x128x8x128xf32, #tpu.memory_space<hbm>> -> memref<1x64x1x128xf32, #tpu.memory_space<hbm>>
    %dma_start3A_93 = tpu.memref_squeeze %dma_start3A_92 : memref<1x64x1x128xf32, #tpu.memory_space<hbm>> -> memref<64x128xf32, #tpu.memory_space<hbm>>
    tpu.enqueue_dma source(%dma_start3A_93 : memref<64x128xf32, #tpu.memory_space<hbm>>) target(%dma_start3A_89 : memref<64x128xf32, #tpu.memory_space<vmem>>) target_semaphore(%arg12 : memref<!tpu.dma_semaphore, #tpu.memory_space<semaphore_mem>>)
    %add3A_94 = arith.constant 8 : i32
    %add3A_95 = arith.addi %add3A_94, %select_n3A : i32
    %dma_start3A_96 = arith.constant 256 : i32
    %dma_start3A_97 = arith.constant 0 : i32
    %dma_start3A_98 = tpu.memref_slice %arg6[%dma_start3A_96, %dma_start3A_97] : memref<384x128xf32, #tpu.memory_space<vmem>> -> memref<64x128xf32, #tpu.memory_space<vmem>>
    %dma_start3A_99 = arith.constant 0 : i32
    %dma_start3A_100 = arith.constant 0 : i32
    %dma_start3A_101 = tpu.memref_slice %arg2[%add3A_95, %dma_start3A_99, %select_n3A_30, %dma_start3A_100] : memref<12x128x8x128xf32, #tpu.memory_space<hbm>> -> memref<1x64x1x128xf32, #tpu.memory_space<hbm>>
    %dma_start3A_102 = tpu.memref_squeeze %dma_start3A_101 : memref<1x64x1x128xf32, #tpu.memory_space<hbm>> -> memref<64x128xf32, #tpu.memory_space<hbm>>
    %dma_start3A_103 = arith.constant 256 : i32
    %dma_start3A_104 = arith.constant 0 : i32
    %dma_start3A_105 = tpu.memref_slice %arg6[%dma_start3A_103, %dma_start3A_104] : memref<384x128xf32, #tpu.memory_space<vmem>> -> memref<64x128xf32, #tpu.memory_space<vmem>>
    %dma_start3A_106 = arith.constant 0 : i32
    %dma_start3A_107 = arith.constant 0 : i32
    %dma_start3A_108 = tpu.memref_slice %arg2[%add3A_95, %dma_start3A_106, %select_n3A_30, %dma_start3A_107] : memref<12x128x8x128xf32, #tpu.memory_space<hbm>> -> memref<1x64x1x128xf32, #tpu.memory_space<hbm>>
    %dma_start3A_109 = tpu.memref_squeeze %dma_start3A_108 : memref<1x64x1x128xf32, #tpu.memory_space<hbm>> -> memref<64x128xf32, #tpu.memory_space<hbm>>
    tpu.enqueue_dma source(%dma_start3A_109 : memref<64x128xf32, #tpu.memory_space<hbm>>) target(%dma_start3A_105 : memref<64x128xf32, #tpu.memory_space<vmem>>) target_semaphore(%arg13 : memref<!tpu.dma_semaphore, #tpu.memory_space<semaphore_mem>>)
    %add3A_110 = arith.constant 8 : i32
    %add3A_111 = arith.addi %add3A_110, %select_n3A : i32
    %dma_start3A_112 = arith.constant 320 : i32
    %dma_start3A_113 = arith.constant 0 : i32
    %dma_start3A_114 = tpu.memref_slice %arg6[%dma_start3A_112, %dma_start3A_113] : memref<384x128xf32, #tpu.memory_space<vmem>> -> memref<64x128xf32, #tpu.memory_space<vmem>>
    %dma_start3A_115 = arith.constant 64 : i32
    %dma_start3A_116 = arith.constant 0 : i32
    %dma_start3A_117 = tpu.memref_slice %arg2[%add3A_111, %dma_start3A_115, %select_n3A_30, %dma_start3A_116] : memref<12x128x8x128xf32, #tpu.memory_space<hbm>> -> memref<1x64x1x128xf32, #tpu.memory_space<hbm>>
    %dma_start3A_118 = tpu.memref_squeeze %dma_start3A_117 : memref<1x64x1x128xf32, #tpu.memory_space<hbm>> -> memref<64x128xf32, #tpu.memory_space<hbm>>
    %dma_start3A_119 = arith.constant 320 : i32
    %dma_start3A_120 = arith.constant 0 : i32
    %dma_start3A_121 = tpu.memref_slice %arg6[%dma_start3A_119, %dma_start3A_120] : memref<384x128xf32, #tpu.memory_space<vmem>> -> memref<64x128xf32, #tpu.memory_space<vmem>>
    %dma_start3A_122 = arith.constant 64 : i32
    %dma_start3A_123 = arith.constant 0 : i32
    %dma_start3A_124 = tpu.memref_slice %arg2[%add3A_111, %dma_start3A_122, %select_n3A_30, %dma_start3A_123] : memref<12x128x8x128xf32, #tpu.memory_space<hbm>> -> memref<1x64x1x128xf32, #tpu.memory_space<hbm>>
    %dma_start3A_125 = tpu.memref_squeeze %dma_start3A_124 : memref<1x64x1x128xf32, #tpu.memory_space<hbm>> -> memref<64x128xf32, #tpu.memory_space<hbm>>
    tpu.enqueue_dma source(%dma_start3A_125 : memref<64x128xf32, #tpu.memory_space<hbm>>) target(%dma_start3A_121 : memref<64x128xf32, #tpu.memory_space<vmem>>) target_semaphore(%arg14 : memref<!tpu.dma_semaphore, #tpu.memory_space<semaphore_mem>>)
    tpu.wait_dma2 semaphore(%arg8 : memref<!tpu.dma_semaphore, #tpu.memory_space<semaphore_mem>>) src(%arg3 : memref<4096xi32, #tpu.memory_space<hbm>>) dst(%arg5 : memref<4096xi32, #tpu.memory_space<vmem>>)
    %dma_wait3A = arith.constant 0 : i32
    %dma_wait3A_126 = arith.constant 0 : i32
    %dma_wait3A_127 = tpu.memref_slice %arg6[%dma_wait3A, %dma_wait3A_126] : memref<384x128xf32, #tpu.memory_space<vmem>> -> memref<64x128xf32, #tpu.memory_space<vmem>>
    %dma_wait3A_128 = arith.constant 0 : i32
    %dma_wait3A_129 = arith.constant 0 : i32
    %dma_wait3A_130 = tpu.memref_slice %arg2[%add3A_32, %dma_wait3A_128, %select_n3A_30, %dma_wait3A_129] : memref<12x128x8x128xf32, #tpu.memory_space<hbm>> -> memref<1x64x1x128xf32, #tpu.memory_space<hbm>>
    %dma_wait3A_131 = tpu.memref_squeeze %dma_wait3A_130 : memref<1x64x1x128xf32, #tpu.memory_space<hbm>> -> memref<64x128xf32, #tpu.memory_space<hbm>>
    %dma_wait3A_132 = arith.constant 0 : i32
    %dma_wait3A_133 = arith.constant 0 : i32
    %dma_wait3A_134 = tpu.memref_slice %arg6[%dma_wait3A_132, %dma_wait3A_133] : memref<384x128xf32, #tpu.memory_space<vmem>> -> memref<64x128xf32, #tpu.memory_space<vmem>>
    %dma_wait3A_135 = arith.constant 0 : i32
    %dma_wait3A_136 = arith.constant 0 : i32
    %dma_wait3A_137 = tpu.memref_slice %arg2[%add3A_32, %dma_wait3A_135, %select_n3A_30, %dma_wait3A_136] : memref<12x128x8x128xf32, #tpu.memory_space<hbm>> -> memref<1x64x1x128xf32, #tpu.memory_space<hbm>>
    %dma_wait3A_138 = tpu.memref_squeeze %dma_wait3A_137 : memref<1x64x1x128xf32, #tpu.memory_space<hbm>> -> memref<64x128xf32, #tpu.memory_space<hbm>>
    tpu.wait_dma2 semaphore(%arg9 : memref<!tpu.dma_semaphore, #tpu.memory_space<semaphore_mem>>) src(%dma_wait3A_138 : memref<64x128xf32, #tpu.memory_space<hbm>>) dst(%dma_wait3A_134 : memref<64x128xf32, #tpu.memory_space<vmem>>)
    %dma_wait3A_139 = arith.constant 64 : i32
    %dma_wait3A_140 = arith.constant 0 : i32
    %dma_wait3A_141 = tpu.memref_slice %arg6[%dma_wait3A_139, %dma_wait3A_140] : memref<384x128xf32, #tpu.memory_space<vmem>> -> memref<64x128xf32, #tpu.memory_space<vmem>>
    %dma_wait3A_142 = arith.constant 64 : i32
    %dma_wait3A_143 = arith.constant 0 : i32
    %dma_wait3A_144 = tpu.memref_slice %arg2[%add3A_47, %dma_wait3A_142, %select_n3A_30, %dma_wait3A_143] : memref<12x128x8x128xf32, #tpu.memory_space<hbm>> -> memref<1x64x1x128xf32, #tpu.memory_space<hbm>>
    %dma_wait3A_145 = tpu.memref_squeeze %dma_wait3A_144 : memref<1x64x1x128xf32, #tpu.memory_space<hbm>> -> memref<64x128xf32, #tpu.memory_space<hbm>>
    %dma_wait3A_146 = arith.constant 64 : i32
    %dma_wait3A_147 = arith.constant 0 : i32
    %dma_wait3A_148 = tpu.memref_slice %arg6[%dma_wait3A_146, %dma_wait3A_147] : memref<384x128xf32, #tpu.memory_space<vmem>> -> memref<64x128xf32, #tpu.memory_space<vmem>>
    %dma_wait3A_149 = arith.constant 64 : i32
    %dma_wait3A_150 = arith.constant 0 : i32
    %dma_wait3A_151 = tpu.memref_slice %arg2[%add3A_47, %dma_wait3A_149, %select_n3A_30, %dma_wait3A_150] : memref<12x128x8x128xf32, #tpu.memory_space<hbm>> -> memref<1x64x1x128xf32, #tpu.memory_space<hbm>>
    %dma_wait3A_152 = tpu.memref_squeeze %dma_wait3A_151 : memref<1x64x1x128xf32, #tpu.memory_space<hbm>> -> memref<64x128xf32, #tpu.memory_space<hbm>>
    tpu.wait_dma2 semaphore(%arg10 : memref<!tpu.dma_semaphore, #tpu.memory_space<semaphore_mem>>) src(%dma_wait3A_152 : memref<64x128xf32, #tpu.memory_space<hbm>>) dst(%dma_wait3A_148 : memref<64x128xf32, #tpu.memory_space<vmem>>)
    %dma_wait3A_153 = arith.constant 128 : i32
    %dma_wait3A_154 = arith.constant 0 : i32
    %dma_wait3A_155 = tpu.memref_slice %arg6[%dma_wait3A_153, %dma_wait3A_154] : memref<384x128xf32, #tpu.memory_space<vmem>> -> memref<64x128xf32, #tpu.memory_space<vmem>>
    %dma_wait3A_156 = arith.constant 0 : i32
    %dma_wait3A_157 = arith.constant 0 : i32
    %dma_wait3A_158 = tpu.memref_slice %arg2[%add3A_63, %dma_wait3A_156, %select_n3A_30, %dma_wait3A_157] : memref<12x128x8x128xf32, #tpu.memory_space<hbm>> -> memref<1x64x1x128xf32, #tpu.memory_space<hbm>>
    %dma_wait3A_159 = tpu.memref_squeeze %dma_wait3A_158 : memref<1x64x1x128xf32, #tpu.memory_space<hbm>> -> memref<64x128xf32, #tpu.memory_space<hbm>>
    %dma_wait3A_160 = arith.constant 128 : i32
    %dma_wait3A_161 = arith.constant 0 : i32
    %dma_wait3A_162 = tpu.memref_slice %arg6[%dma_wait3A_160, %dma_wait3A_161] : memref<384x128xf32, #tpu.memory_space<vmem>> -> memref<64x128xf32, #tpu.memory_space<vmem>>
    %dma_wait3A_163 = arith.constant 0 : i32
    %dma_wait3A_164 = arith.constant 0 : i32
    %dma_wait3A_165 = tpu.memref_slice %arg2[%add3A_63, %dma_wait3A_163, %select_n3A_30, %dma_wait3A_164] : memref<12x128x8x128xf32, #tpu.memory_space<hbm>> -> memref<1x64x1x128xf32, #tpu.memory_space<hbm>>
    %dma_wait3A_166 = tpu.memref_squeeze %dma_wait3A_165 : memref<1x64x1x128xf32, #tpu.memory_space<hbm>> -> memref<64x128xf32, #tpu.memory_space<hbm>>
    tpu.wait_dma2 semaphore(%arg11 : memref<!tpu.dma_semaphore, #tpu.memory_space<semaphore_mem>>) src(%dma_wait3A_166 : memref<64x128xf32, #tpu.memory_space<hbm>>) dst(%dma_wait3A_162 : memref<64x128xf32, #tpu.memory_space<vmem>>)
    %dma_wait3A_167 = arith.constant 192 : i32
    %dma_wait3A_168 = arith.constant 0 : i32
    %dma_wait3A_169 = tpu.memref_slice %arg6[%dma_wait3A_167, %dma_wait3A_168] : memref<384x128xf32, #tpu.memory_space<vmem>> -> memref<64x128xf32, #tpu.memory_space<vmem>>
    %dma_wait3A_170 = arith.constant 64 : i32
    %dma_wait3A_171 = arith.constant 0 : i32
    %dma_wait3A_172 = tpu.memref_slice %arg2[%add3A_79, %dma_wait3A_170, %select_n3A_30, %dma_wait3A_171] : memref<12x128x8x128xf32, #tpu.memory_space<hbm>> -> memref<1x64x1x128xf32, #tpu.memory_space<hbm>>
    %dma_wait3A_173 = tpu.memref_squeeze %dma_wait3A_172 : memref<1x64x1x128xf32, #tpu.memory_space<hbm>> -> memref<64x128xf32, #tpu.memory_space<hbm>>
    %dma_wait3A_174 = arith.constant 192 : i32
    %dma_wait3A_175 = arith.constant 0 : i32
    %dma_wait3A_176 = tpu.memref_slice %arg6[%dma_wait3A_174, %dma_wait3A_175] : memref<384x128xf32, #tpu.memory_space<vmem>> -> memref<64x128xf32, #tpu.memory_space<vmem>>
    %dma_wait3A_177 = arith.constant 64 : i32
    %dma_wait3A_178 = arith.constant 0 : i32
    %dma_wait3A_179 = tpu.memref_slice %arg2[%add3A_79, %dma_wait3A_177, %select_n3A_30, %dma_wait3A_178] : memref<12x128x8x128xf32, #tpu.memory_space<hbm>> -> memref<1x64x1x128xf32, #tpu.memory_space<hbm>>
    %dma_wait3A_180 = tpu.memref_squeeze %dma_wait3A_179 : memref<1x64x1x128xf32, #tpu.memory_space<hbm>> -> memref<64x128xf32, #tpu.memory_space<hbm>>
    tpu.wait_dma2 semaphore(%arg12 : memref<!tpu.dma_semaphore, #tpu.memory_space<semaphore_mem>>) src(%dma_wait3A_180 : memref<64x128xf32, #tpu.memory_space<hbm>>) dst(%dma_wait3A_176 : memref<64x128xf32, #tpu.memory_space<vmem>>)
    %dma_wait3A_181 = arith.constant 256 : i32
    %dma_wait3A_182 = arith.constant 0 : i32
    %dma_wait3A_183 = tpu.memref_slice %arg6[%dma_wait3A_181, %dma_wait3A_182] : memref<384x128xf32, #tpu.memory_space<vmem>> -> memref<64x128xf32, #tpu.memory_space<vmem>>
    %dma_wait3A_184 = arith.constant 0 : i32
    %dma_wait3A_185 = arith.constant 0 : i32
    %dma_wait3A_186 = tpu.memref_slice %arg2[%add3A_95, %dma_wait3A_184, %select_n3A_30, %dma_wait3A_185] : memref<12x128x8x128xf32, #tpu.memory_space<hbm>> -> memref<1x64x1x128xf32, #tpu.memory_space<hbm>>
    %dma_wait3A_187 = tpu.memref_squeeze %dma_wait3A_186 : memref<1x64x1x128xf32, #tpu.memory_space<hbm>> -> memref<64x128xf32, #tpu.memory_space<hbm>>
    %dma_wait3A_188 = arith.constant 256 : i32
    %dma_wait3A_189 = arith.constant 0 : i32
    %dma_wait3A_190 = tpu.memref_slice %arg6[%dma_wait3A_188, %dma_wait3A_189] : memref<384x128xf32, #tpu.memory_space<vmem>> -> memref<64x128xf32, #tpu.memory_space<vmem>>
    %dma_wait3A_191 = arith.constant 0 : i32
    %dma_wait3A_192 = arith.constant 0 : i32
    %dma_wait3A_193 = tpu.memref_slice %arg2[%add3A_95, %dma_wait3A_191, %select_n3A_30, %dma_wait3A_192] : memref<12x128x8x128xf32, #tpu.memory_space<hbm>> -> memref<1x64x1x128xf32, #tpu.memory_space<hbm>>
    %dma_wait3A_194 = tpu.memref_squeeze %dma_wait3A_193 : memref<1x64x1x128xf32, #tpu.memory_space<hbm>> -> memref<64x128xf32, #tpu.memory_space<hbm>>
    tpu.wait_dma2 semaphore(%arg13 : memref<!tpu.dma_semaphore, #tpu.memory_space<semaphore_mem>>) src(%dma_wait3A_194 : memref<64x128xf32, #tpu.memory_space<hbm>>) dst(%dma_wait3A_190 : memref<64x128xf32, #tpu.memory_space<vmem>>)
    %dma_wait3A_195 = arith.constant 320 : i32
    %dma_wait3A_196 = arith.constant 0 : i32
    %dma_wait3A_197 = tpu.memref_slice %arg6[%dma_wait3A_195, %dma_wait3A_196] : memref<384x128xf32, #tpu.memory_space<vmem>> -> memref<64x128xf32, #tpu.memory_space<vmem>>
    %dma_wait3A_198 = arith.constant 64 : i32
    %dma_wait3A_199 = arith.constant 0 : i32
    %dma_wait3A_200 = tpu.memref_slice %arg2[%add3A_111, %dma_wait3A_198, %select_n3A_30, %dma_wait3A_199] : memref<12x128x8x128xf32, #tpu.memory_space<hbm>> -> memref<1x64x1x128xf32, #tpu.memory_space<hbm>>
    %dma_wait3A_201 = tpu.memref_squeeze %dma_wait3A_200 : memref<1x64x1x128xf32, #tpu.memory_space<hbm>> -> memref<64x128xf32, #tpu.memory_space<hbm>>
    %dma_wait3A_202 = arith.constant 320 : i32
    %dma_wait3A_203 = arith.constant 0 : i32
    %dma_wait3A_204 = tpu.memref_slice %arg6[%dma_wait3A_202, %dma_wait3A_203] : memref<384x128xf32, #tpu.memory_space<vmem>> -> memref<64x128xf32, #tpu.memory_space<vmem>>
    %dma_wait3A_205 = arith.constant 64 : i32
    %dma_wait3A_206 = arith.constant 0 : i32
    %dma_wait3A_207 = tpu.memref_slice %arg2[%add3A_111, %dma_wait3A_205, %select_n3A_30, %dma_wait3A_206] : memref<12x128x8x128xf32, #tpu.memory_space<hbm>> -> memref<1x64x1x128xf32, #tpu.memory_space<hbm>>
    %dma_wait3A_208 = tpu.memref_squeeze %dma_wait3A_207 : memref<1x64x1x128xf32, #tpu.memory_space<hbm>> -> memref<64x128xf32, #tpu.memory_space<hbm>>
    tpu.wait_dma2 semaphore(%arg14 : memref<!tpu.dma_semaphore, #tpu.memory_space<semaphore_mem>>) src(%dma_wait3A_208 : memref<64x128xf32, #tpu.memory_space<hbm>>) dst(%dma_wait3A_204 : memref<64x128xf32, #tpu.memory_space<vmem>>)
    %scan3A = arith.constant 0 : i32
    %scan3A_209 = arith.constant 0 : i32
    %scan3A_210 = arith.constant 128 : i32
    %scan3A_211 = arith.addi %scan3A_209, %scan3A_210 : i32
    %scan3A_212 = arith.constant 8 : i32
    scf.for %scan3A_400 = %scan3A_209 to %scan3A_211 step %scan3A_212  : i32 {
      %mul3A_401 = arith.constant 16 : i32
      %mul3A_402 = arith.muli %scan3A_400, %mul3A_401 : i32
      %get3A = arith.index_cast %mul3A_402 : i32 to index
      %get3A_403 = tpu.vector_load %arg5[%get3A] {strides = array<i32>} : memref<4096xi32, #tpu.memory_space<vmem>>, vector<16xi32>,
      %shift_right_logical3A = arith.constant 7 : i32
      %shift_right_logical3A_404 = vector.broadcast %shift_right_logical3A : i32 to vector<16xi32>
      %shift_right_logical3A_405 = arith.shrui %get3A_403, %shift_right_logical3A_404 : vector<16xi32>
      %and3A_406 = arith.constant 127 : i32
      %and3A_407 = vector.broadcast %and3A_406 : i32 to vector<16xi32>
      %and3A_408 = arith.andi %get3A_403, %and3A_407 : vector<16xi32>
      %jit3A_409 = arith.constant 8 : i32
      %div3A_410 = arith.divsi %scan3A_400, %jit3A_409 : i32
      %sign3A_411 = arith.constant 0 : i32
      %sign3A_412 = arith.cmpi sgt, %scan3A_400, %sign3A_411 : i32
      %sign3A_413 = arith.extui %sign3A_412 : i1 to i32
      %sign3A_414 = arith.constant 0 : i32
      %sign3A_415 = arith.cmpi slt, %scan3A_400, %sign3A_414 : i32
      %sign3A_416 = arith.extui %sign3A_415 : i1 to i32
      %sign3A_417 = arith.subi %sign3A_413, %sign3A_416 : i32
      %sign3A_418 = arith.constant 0 : i32
      %sign3A_419 = arith.cmpi sgt, %jit3A_409, %sign3A_418 : i32
      %sign3A_420 = arith.extui %sign3A_419 : i1 to i32
      %sign3A_421 = arith.constant 0 : i32
      %sign3A_422 = arith.cmpi slt, %jit3A_409, %sign3A_421 : i32
      %sign3A_423 = arith.extui %sign3A_422 : i1 to i32
      %sign3A_424 = arith.subi %sign3A_420, %sign3A_423 : i32
      %ne3A_425 = arith.cmpi ne, %sign3A_417, %sign3A_424 : i32
      %rem3A_426 = arith.remsi %scan3A_400, %jit3A_409 : i32
      %ne3A_427 = arith.constant 0 : i32
      %ne3A_428 = arith.cmpi ne, %rem3A_426, %ne3A_427 : i32
      %and3A_429 = arith.andi %ne3A_425, %ne3A_428 : i1
      %sub3A_430 = arith.constant 1 : i32
      %sub3A_431 = arith.subi %div3A_410, %sub3A_430 : i32
      %select_n3A_432 = arith.select %and3A_429, %sub3A_431, %div3A_410 : i32
      %jit3A_433 = arith.constant 8 : i32
      %eq3A_434 = arith.constant 0 : i32
      %eq3A_435 = arith.cmpi eq, %jit3A_433, %eq3A_434 : i32
      %jit3A_436 = arith.constant 1 : i32
      %select_n3A_437 = arith.select %eq3A_435, %jit3A_436, %jit3A_433 : i32
      %rem3A_438 = arith.remsi %scan3A_400, %select_n3A_437 : i32
      %ne3A_439 = arith.constant 0 : i32
      %ne3A_440 = arith.cmpi ne, %rem3A_438, %ne3A_439 : i32
      %lt3A_441 = arith.constant 0 : i32
      %lt3A_442 = arith.cmpi slt, %rem3A_438, %lt3A_441 : i32
      %lt3A_443 = arith.constant 0 : i32
      %lt3A_444 = arith.cmpi slt, %select_n3A_437, %lt3A_443 : i32
      %ne3A_445 = arith.xori %lt3A_442, %lt3A_444 : i1
      %and3A_446 = arith.andi %ne3A_445, %ne3A_440 : i1
      %add3A_447 = arith.addi %rem3A_438, %select_n3A_437 : i32
      %select_n3A_448 = arith.select %and3A_446, %add3A_447, %rem3A_438 : i32
      %mul3A_449 = arith.constant 16 : i32
      %mul3A_450 = arith.muli %select_n3A_448, %mul3A_449 : i32
      %add3A_451 = arith.constant 0 : i32
      %add3A_452 = vector.broadcast %add3A_451 : i32 to vector<16xi32>
      %add3A_453 = arith.addi %shift_right_logical3A_405, %add3A_452 : vector<16xi32>
      %gather3A = tpu.vector_load_idx %arg6[%add3A_453, %and3A_408] : memref<384x128xf32, #tpu.memory_space<vmem>>[vector<16xi32>, vector<16xi32>], vector<16xf32>,
      %add3A_454 = arith.constant 0 : i32
      %add3A_455 = arith.addi %add3A_454, %select_n3A_432 : i32
      %swap3A = arith.index_cast %add3A_455 : i32 to index
      %swap3A_456 = arith.index_cast %mul3A_450 : i32 to index
      %swap3A_457 = tpu.vector_load %arg7[%swap3A, %swap3A_456] {strides = array<i32>} : memref<96x128xf32, #tpu.memory_space<vmem>>, vector<16xf32>,
      tpu.vector_store %arg7[%swap3A, %swap3A_456], %gather3A {strides = array<i32>} : memref<96x128xf32, #tpu.memory_space<vmem>>, vector<16xf32>,
      %add3A_458 = arith.constant 128 : i32
      %add3A_459 = vector.broadcast %add3A_458 : i32 to vector<16xi32>
      %add3A_460 = arith.addi %shift_right_logical3A_405, %add3A_459 : vector<16xi32>
      %gather3A_461 = tpu.vector_load_idx %arg6[%add3A_460, %and3A_408] : memref<384x128xf32, #tpu.memory_space<vmem>>[vector<16xi32>, vector<16xi32>], vector<16xf32>,
      %add3A_462 = arith.constant 32 : i32
      %add3A_463 = arith.addi %add3A_462, %select_n3A_432 : i32
      %swap3A_464 = arith.index_cast %add3A_463 : i32 to index
      %swap3A_465 = arith.index_cast %mul3A_450 : i32 to index
      %swap3A_466 = tpu.vector_load %arg7[%swap3A_464, %swap3A_465] {strides = array<i32>} : memref<96x128xf32, #tpu.memory_space<vmem>>, vector<16xf32>,
      tpu.vector_store %arg7[%swap3A_464, %swap3A_465], %gather3A_461 {strides = array<i32>} : memref<96x128xf32, #tpu.memory_space<vmem>>, vector<16xf32>,
      %add3A_467 = arith.constant 256 : i32
      %add3A_468 = vector.broadcast %add3A_467 : i32 to vector<16xi32>
      %add3A_469 = arith.addi %shift_right_logical3A_405, %add3A_468 : vector<16xi32>
      %gather3A_470 = tpu.vector_load_idx %arg6[%add3A_469, %and3A_408] : memref<384x128xf32, #tpu.memory_space<vmem>>[vector<16xi32>, vector<16xi32>], vector<16xf32>,
      %add3A_471 = arith.constant 64 : i32
      %add3A_472 = arith.addi %add3A_471, %select_n3A_432 : i32
      %swap3A_473 = arith.index_cast %add3A_472 : i32 to index
      %swap3A_474 = arith.index_cast %mul3A_450 : i32 to index
      %swap3A_475 = tpu.vector_load %arg7[%swap3A_473, %swap3A_474] {strides = array<i32>} : memref<96x128xf32, #tpu.memory_space<vmem>>, vector<16xf32>,
      tpu.vector_store %arg7[%swap3A_473, %swap3A_474], %gather3A_470 {strides = array<i32>} : memref<96x128xf32, #tpu.memory_space<vmem>>, vector<16xf32>,
      %scan3A_476 = arith.constant 1 : i32
      %scan3A_477 = arith.addi %scan3A_400, %scan3A_476 : i32
      %mul3A_478 = arith.constant 16 : i32
      %mul3A_479 = arith.muli %scan3A_477, %mul3A_478 : i32
      %get3A_480 = arith.index_cast %mul3A_479 : i32 to index
      %get3A_481 = tpu.vector_load %arg5[%get3A_480] {strides = array<i32>} : memref<4096xi32, #tpu.memory_space<vmem>>, vector<16xi32>,
      %shift_right_logical3A_482 = arith.constant 7 : i32
      %shift_right_logical3A_483 = vector.broadcast %shift_right_logical3A_482 : i32 to vector<16xi32>
      %shift_right_logical3A_484 = arith.shrui %get3A_481, %shift_right_logical3A_483 : vector<16xi32>
      %and3A_485 = arith.constant 127 : i32
      %and3A_486 = vector.broadcast %and3A_485 : i32 to vector<16xi32>
      %and3A_487 = arith.andi %get3A_481, %and3A_486 : vector<16xi32>
      %jit3A_488 = arith.constant 8 : i32
      %div3A_489 = arith.divsi %scan3A_477, %jit3A_488 : i32
      %sign3A_490 = arith.constant 0 : i32
      %sign3A_491 = arith.cmpi sgt, %scan3A_477, %sign3A_490 : i32
      %sign3A_492 = arith.extui %sign3A_491 : i1 to i32
      %sign3A_493 = arith.constant 0 : i32
      %sign3A_494 = arith.cmpi slt, %scan3A_477, %sign3A_493 : i32
      %sign3A_495 = arith.extui %sign3A_494 : i1 to i32
      %sign3A_496 = arith.subi %sign3A_492, %sign3A_495 : i32
      %sign3A_497 = arith.constant 0 : i32
      %sign3A_498 = arith.cmpi sgt, %jit3A_488, %sign3A_497 : i32
      %sign3A_499 = arith.extui %sign3A_498 : i1 to i32
      %sign3A_500 = arith.constant 0 : i32
      %sign3A_501 = arith.cmpi slt, %jit3A_488, %sign3A_500 : i32
      %sign3A_502 = arith.extui %sign3A_501 : i1 to i32
      %sign3A_503 = arith.subi %sign3A_499, %sign3A_502 : i32
      %ne3A_504 = arith.cmpi ne, %sign3A_496, %sign3A_503 : i32
      %rem3A_505 = arith.remsi %scan3A_477, %jit3A_488 : i32
      %ne3A_506 = arith.constant 0 : i32
      %ne3A_507 = arith.cmpi ne, %rem3A_505, %ne3A_506 : i32
      %and3A_508 = arith.andi %ne3A_504, %ne3A_507 : i1
      %sub3A_509 = arith.constant 1 : i32
      %sub3A_510 = arith.subi %div3A_489, %sub3A_509 : i32
      %select_n3A_511 = arith.select %and3A_508, %sub3A_510, %div3A_489 : i32
      %jit3A_512 = arith.constant 8 : i32
      %eq3A_513 = arith.constant 0 : i32
      %eq3A_514 = arith.cmpi eq, %jit3A_512, %eq3A_513 : i32
      %jit3A_515 = arith.constant 1 : i32
      %select_n3A_516 = arith.select %eq3A_514, %jit3A_515, %jit3A_512 : i32
      %rem3A_517 = arith.remsi %scan3A_477, %select_n3A_516 : i32
      %ne3A_518 = arith.constant 0 : i32
      %ne3A_519 = arith.cmpi ne, %rem3A_517, %ne3A_518 : i32
      %lt3A_520 = arith.constant 0 : i32
      %lt3A_521 = arith.cmpi slt, %rem3A_517, %lt3A_520 : i32
      %lt3A_522 = arith.constant 0 : i32
      %lt3A_523 = arith.cmpi slt, %select_n3A_516, %lt3A_522 : i32
      %ne3A_524 = arith.xori %lt3A_521, %lt3A_523 : i1
      %and3A_525 = arith.andi %ne3A_524, %ne3A_519 : i1
      %add3A_526 = arith.addi %rem3A_517, %select_n3A_516 : i32
      %select_n3A_527 = arith.select %and3A_525, %add3A_526, %rem3A_517 : i32
      %mul3A_528 = arith.constant 16 : i32
      %mul3A_529 = arith.muli %select_n3A_527, %mul3A_528 : i32
      %add3A_530 = arith.constant 0 : i32
      %add3A_531 = vector.broadcast %add3A_530 : i32 to vector<16xi32>
      %add3A_532 = arith.addi %shift_right_logical3A_484, %add3A_531 : vector<16xi32>
      %gather3A_533 = tpu.vector_load_idx %arg6[%add3A_532, %and3A_487] : memref<384x128xf32, #tpu.memory_space<vmem>>[vector<16xi32>, vector<16xi32>], vector<16xf32>,
      %add3A_534 = arith.constant 0 : i32
      %add3A_535 = arith.addi %add3A_534, %select_n3A_511 : i32
      %swap3A_536 = arith.index_cast %add3A_535 : i32 to index
      %swap3A_537 = arith.index_cast %mul3A_529 : i32 to index
      %swap3A_538 = tpu.vector_load %arg7[%swap3A_536, %swap3A_537] {strides = array<i32>} : memref<96x128xf32, #tpu.memory_space<vmem>>, vector<16xf32>,
      tpu.vector_store %arg7[%swap3A_536, %swap3A_537], %gather3A_533 {strides = array<i32>} : memref<96x128xf32, #tpu.memory_space<vmem>>, vector<16xf32>,
      %add3A_539 = arith.constant 128 : i32
      %add3A_540 = vector.broadcast %add3A_539 : i32 to vector<16xi32>
      %add3A_541 = arith.addi %shift_right_logical3A_484, %add3A_540 : vector<16xi32>
      %gather3A_542 = tpu.vector_load_idx %arg6[%add3A_541, %and3A_487] : memref<384x128xf32, #tpu.memory_space<vmem>>[vector<16xi32>, vector<16xi32>], vector<16xf32>,
      %add3A_543 = arith.constant 32 : i32
      %add3A_544 = arith.addi %add3A_543, %select_n3A_511 : i32
      %swap3A_545 = arith.index_cast %add3A_544 : i32 to index
      %swap3A_546 = arith.index_cast %mul3A_529 : i32 to index
      %swap3A_547 = tpu.vector_load %arg7[%swap3A_545, %swap3A_546] {strides = array<i32>} : memref<96x128xf32, #tpu.memory_space<vmem>>, vector<16xf32>,
      tpu.vector_store %arg7[%swap3A_545, %swap3A_546], %gather3A_542 {strides = array<i32>} : memref<96x128xf32, #tpu.memory_space<vmem>>, vector<16xf32>,
      %add3A_548 = arith.constant 256 : i32
      %add3A_549 = vector.broadcast %add3A_548 : i32 to vector<16xi32>
      %add3A_550 = arith.addi %shift_right_logical3A_484, %add3A_549 : vector<16xi32>
      %gather3A_551 = tpu.vector_load_idx %arg6[%add3A_550, %and3A_487] : memref<384x128xf32, #tpu.memory_space<vmem>>[vector<16xi32>, vector<16xi32>], vector<16xf32>,
      %add3A_552 = arith.constant 64 : i32
      %add3A_553 = arith.addi %add3A_552, %select_n3A_511 : i32
      %swap3A_554 = arith.index_cast %add3A_553 : i32 to index
      %swap3A_555 = arith.index_cast %mul3A_529 : i32 to index
      %swap3A_556 = tpu.vector_load %arg7[%swap3A_554, %swap3A_555] {strides = array<i32>} : memref<96x128xf32, #tpu.memory_space<vmem>>, vector<16xf32>,
      tpu.vector_store %arg7[%swap3A_554, %swap3A_555], %gather3A_551 {strides = array<i32>} : memref<96x128xf32, #tpu.memory_space<vmem>>, vector<16xf32>,
      %scan3A_557 = arith.constant 2 : i32
      %scan3A_558 = arith.addi %scan3A_400, %scan3A_557 : i32
      %mul3A_559 = arith.constant 16 : i32
      %mul3A_560 = arith.muli %scan3A_558, %mul3A_559 : i32
      %get3A_561 = arith.index_cast %mul3A_560 : i32 to index
      %get3A_562 = tpu.vector_load %arg5[%get3A_561] {strides = array<i32>} : memref<4096xi32, #tpu.memory_space<vmem>>, vector<16xi32>,
      %shift_right_logical3A_563 = arith.constant 7 : i32
      %shift_right_logical3A_564 = vector.broadcast %shift_right_logical3A_563 : i32 to vector<16xi32>
      %shift_right_logical3A_565 = arith.shrui %get3A_562, %shift_right_logical3A_564 : vector<16xi32>
      %and3A_566 = arith.constant 127 : i32
      %and3A_567 = vector.broadcast %and3A_566 : i32 to vector<16xi32>
      %and3A_568 = arith.andi %get3A_562, %and3A_567 : vector<16xi32>
      %jit3A_569 = arith.constant 8 : i32
      %div3A_570 = arith.divsi %scan3A_558, %jit3A_569 : i32
      %sign3A_571 = arith.constant 0 : i32
      %sign3A_572 = arith.cmpi sgt, %scan3A_558, %sign3A_571 : i32
      %sign3A_573 = arith.extui %sign3A_572 : i1 to i32
      %sign3A_574 = arith.constant 0 : i32
      %sign3A_575 = arith.cmpi slt, %scan3A_558, %sign3A_574 : i32
      %sign3A_576 = arith.extui %sign3A_575 : i1 to i32
      %sign3A_577 = arith.subi %sign3A_573, %sign3A_576 : i32
      %sign3A_578 = arith.constant 0 : i32
      %sign3A_579 = arith.cmpi sgt, %jit3A_569, %sign3A_578 : i32
      %sign3A_580 = arith.extui %sign3A_579 : i1 to i32
      %sign3A_581 = arith.constant 0 : i32
      %sign3A_582 = arith.cmpi slt, %jit3A_569, %sign3A_581 : i32
      %sign3A_583 = arith.extui %sign3A_582 : i1 to i32
      %sign3A_584 = arith.subi %sign3A_580, %sign3A_583 : i32
      %ne3A_585 = arith.cmpi ne, %sign3A_577, %sign3A_584 : i32
      %rem3A_586 = arith.remsi %scan3A_558, %jit3A_569 : i32
      %ne3A_587 = arith.constant 0 : i32
      %ne3A_588 = arith.cmpi ne, %rem3A_586, %ne3A_587 : i32
      %and3A_589 = arith.andi %ne3A_585, %ne3A_588 : i1
      %sub3A_590 = arith.constant 1 : i32
      %sub3A_591 = arith.subi %div3A_570, %sub3A_590 : i32
      %select_n3A_592 = arith.select %and3A_589, %sub3A_591, %div3A_570 : i32
      %jit3A_593 = arith.constant 8 : i32
      %eq3A_594 = arith.constant 0 : i32
      %eq3A_595 = arith.cmpi eq, %jit3A_593, %eq3A_594 : i32
      %jit3A_596 = arith.constant 1 : i32
      %select_n3A_597 = arith.select %eq3A_595, %jit3A_596, %jit3A_593 : i32
      %rem3A_598 = arith.remsi %scan3A_558, %select_n3A_597 : i32
      %ne3A_599 = arith.constant 0 : i32
      %ne3A_600 = arith.cmpi ne, %rem3A_598, %ne3A_599 : i32
      %lt3A_601 = arith.constant 0 : i32
      %lt3A_602 = arith.cmpi slt, %rem3A_598, %lt3A_601 : i32
      %lt3A_603 = arith.constant 0 : i32
      %lt3A_604 = arith.cmpi slt, %select_n3A_597, %lt3A_603 : i32
      %ne3A_605 = arith.xori %lt3A_602, %lt3A_604 : i1
      %and3A_606 = arith.andi %ne3A_605, %ne3A_600 : i1
      %add3A_607 = arith.addi %rem3A_598, %select_n3A_597 : i32
      %select_n3A_608 = arith.select %and3A_606, %add3A_607, %rem3A_598 : i32
      %mul3A_609 = arith.constant 16 : i32
      %mul3A_610 = arith.muli %select_n3A_608, %mul3A_609 : i32
      %add3A_611 = arith.constant 0 : i32
      %add3A_612 = vector.broadcast %add3A_611 : i32 to vector<16xi32>
      %add3A_613 = arith.addi %shift_right_logical3A_565, %add3A_612 : vector<16xi32>
      %gather3A_614 = tpu.vector_load_idx %arg6[%add3A_613, %and3A_568] : memref<384x128xf32, #tpu.memory_space<vmem>>[vector<16xi32>, vector<16xi32>], vector<16xf32>,
      %add3A_615 = arith.constant 0 : i32
      %add3A_616 = arith.addi %add3A_615, %select_n3A_592 : i32
      %swap3A_617 = arith.index_cast %add3A_616 : i32 to index
      %swap3A_618 = arith.index_cast %mul3A_610 : i32 to index
      %swap3A_619 = tpu.vector_load %arg7[%swap3A_617, %swap3A_618] {strides = array<i32>} : memref<96x128xf32, #tpu.memory_space<vmem>>, vector<16xf32>,
      tpu.vector_store %arg7[%swap3A_617, %swap3A_618], %gather3A_614 {strides = array<i32>} : memref<96x128xf32, #tpu.memory_space<vmem>>, vector<16xf32>,
      %add3A_620 = arith.constant 128 : i32
      %add3A_621 = vector.broadcast %add3A_620 : i32 to vector<16xi32>
      %add3A_622 = arith.addi %shift_right_logical3A_565, %add3A_621 : vector<16xi32>
      %gather3A_623 = tpu.vector_load_idx %arg6[%add3A_622, %and3A_568] : memref<384x128xf32, #tpu.memory_space<vmem>>[vector<16xi32>, vector<16xi32>], vector<16xf32>,
      %add3A_624 = arith.constant 32 : i32
      %add3A_625 = arith.addi %add3A_624, %select_n3A_592 : i32
      %swap3A_626 = arith.index_cast %add3A_625 : i32 to index
      %swap3A_627 = arith.index_cast %mul3A_610 : i32 to index
      %swap3A_628 = tpu.vector_load %arg7[%swap3A_626, %swap3A_627] {strides = array<i32>} : memref<96x128xf32, #tpu.memory_space<vmem>>, vector<16xf32>,
      tpu.vector_store %arg7[%swap3A_626, %swap3A_627], %gather3A_623 {strides = array<i32>} : memref<96x128xf32, #tpu.memory_space<vmem>>, vector<16xf32>,
      %add3A_629 = arith.constant 256 : i32
      %add3A_630 = vector.broadcast %add3A_629 : i32 to vector<16xi32>
      %add3A_631 = arith.addi %shift_right_logical3A_565, %add3A_630 : vector<16xi32>
      %gather3A_632 = tpu.vector_load_idx %arg6[%add3A_631, %and3A_568] : memref<384x128xf32, #tpu.memory_space<vmem>>[vector<16xi32>, vector<16xi32>], vector<16xf32>,
      %add3A_633 = arith.constant 64 : i32
      %add3A_634 = arith.addi %add3A_633, %select_n3A_592 : i32
      %swap3A_635 = arith.index_cast %add3A_634 : i32 to index
      %swap3A_636 = arith.index_cast %mul3A_610 : i32 to index
      %swap3A_637 = tpu.vector_load %arg7[%swap3A_635, %swap3A_636] {strides = array<i32>} : memref<96x128xf32, #tpu.memory_space<vmem>>, vector<16xf32>,
      tpu.vector_store %arg7[%swap3A_635, %swap3A_636], %gather3A_632 {strides = array<i32>} : memref<96x128xf32, #tpu.memory_space<vmem>>, vector<16xf32>,
      %scan3A_638 = arith.constant 3 : i32
      %scan3A_639 = arith.addi %scan3A_400, %scan3A_638 : i32
      %mul3A_640 = arith.constant 16 : i32
      %mul3A_641 = arith.muli %scan3A_639, %mul3A_640 : i32
      %get3A_642 = arith.index_cast %mul3A_641 : i32 to index
      %get3A_643 = tpu.vector_load %arg5[%get3A_642] {strides = array<i32>} : memref<4096xi32, #tpu.memory_space<vmem>>, vector<16xi32>,
      %shift_right_logical3A_644 = arith.constant 7 : i32
      %shift_right_logical3A_645 = vector.broadcast %shift_right_logical3A_644 : i32 to vector<16xi32>
      %shift_right_logical3A_646 = arith.shrui %get3A_643, %shift_right_logical3A_645 : vector<16xi32>
      %and3A_647 = arith.constant 127 : i32
      %and3A_648 = vector.broadcast %and3A_647 : i32 to vector<16xi32>
      %and3A_649 = arith.andi %get3A_643, %and3A_648 : vector<16xi32>
      %jit3A_650 = arith.constant 8 : i32
      %div3A_651 = arith.divsi %scan3A_639, %jit3A_650 : i32
      %sign3A_652 = arith.constant 0 : i32
      %sign3A_653 = arith.cmpi sgt, %scan3A_639, %sign3A_652 : i32
      %sign3A_654 = arith.extui %sign3A_653 : i1 to i32
      %sign3A_655 = arith.constant 0 : i32
      %sign3A_656 = arith.cmpi slt, %scan3A_639, %sign3A_655 : i32
      %sign3A_657 = arith.extui %sign3A_656 : i1 to i32
      %sign3A_658 = arith.subi %sign3A_654, %sign3A_657 : i32
      %sign3A_659 = arith.constant 0 : i32
      %sign3A_660 = arith.cmpi sgt, %jit3A_650, %sign3A_659 : i32
      %sign3A_661 = arith.extui %sign3A_660 : i1 to i32
      %sign3A_662 = arith.constant 0 : i32
      %sign3A_663 = arith.cmpi slt, %jit3A_650, %sign3A_662 : i32
      %sign3A_664 = arith.extui %sign3A_663 : i1 to i32
      %sign3A_665 = arith.subi %sign3A_661, %sign3A_664 : i32
      %ne3A_666 = arith.cmpi ne, %sign3A_658, %sign3A_665 : i32
      %rem3A_667 = arith.remsi %scan3A_639, %jit3A_650 : i32
      %ne3A_668 = arith.constant 0 : i32
      %ne3A_669 = arith.cmpi ne, %rem3A_667, %ne3A_668 : i32
      %and3A_670 = arith.andi %ne3A_666, %ne3A_669 : i1
      %sub3A_671 = arith.constant 1 : i32
      %sub3A_672 = arith.subi %div3A_651, %sub3A_671 : i32
      %select_n3A_673 = arith.select %and3A_670, %sub3A_672, %div3A_651 : i32
      %jit3A_674 = arith.constant 8 : i32
      %eq3A_675 = arith.constant 0 : i32
      %eq3A_676 = arith.cmpi eq, %jit3A_674, %eq3A_675 : i32
      %jit3A_677 = arith.constant 1 : i32
      %select_n3A_678 = arith.select %eq3A_676, %jit3A_677, %jit3A_674 : i32
      %rem3A_679 = arith.remsi %scan3A_639, %select_n3A_678 : i32
      %ne3A_680 = arith.constant 0 : i32
      %ne3A_681 = arith.cmpi ne, %rem3A_679, %ne3A_680 : i32
      %lt3A_682 = arith.constant 0 : i32
      %lt3A_683 = arith.cmpi slt, %rem3A_679, %lt3A_682 : i32
      %lt3A_684 = arith.constant 0 : i32
      %lt3A_685 = arith.cmpi slt, %select_n3A_678, %lt3A_684 : i32
      %ne3A_686 = arith.xori %lt3A_683, %lt3A_685 : i1
      %and3A_687 = arith.andi %ne3A_686, %ne3A_681 : i1
      %add3A_688 = arith.addi %rem3A_679, %select_n3A_678 : i32
      %select_n3A_689 = arith.select %and3A_687, %add3A_688, %rem3A_679 : i32
      %mul3A_690 = arith.constant 16 : i32
      %mul3A_691 = arith.muli %select_n3A_689, %mul3A_690 : i32
      %add3A_692 = arith.constant 0 : i32
      %add3A_693 = vector.broadcast %add3A_692 : i32 to vector<16xi32>
      %add3A_694 = arith.addi %shift_right_logical3A_646, %add3A_693 : vector<16xi32>
      %gather3A_695 = tpu.vector_load_idx %arg6[%add3A_694, %and3A_649] : memref<384x128xf32, #tpu.memory_space<vmem>>[vector<16xi32>, vector<16xi32>], vector<16xf32>,
      %add3A_696 = arith.constant 0 : i32
      %add3A_697 = arith.addi %add3A_696, %select_n3A_673 : i32
      %swap3A_698 = arith.index_cast %add3A_697 : i32 to index
      %swap3A_699 = arith.index_cast %mul3A_691 : i32 to index
      %swap3A_700 = tpu.vector_load %arg7[%swap3A_698, %swap3A_699] {strides = array<i32>} : memref<96x128xf32, #tpu.memory_space<vmem>>, vector<16xf32>,
      tpu.vector_store %arg7[%swap3A_698, %swap3A_699], %gather3A_695 {strides = array<i32>} : memref<96x128xf32, #tpu.memory_space<vmem>>, vector<16xf32>,
      %add3A_701 = arith.constant 128 : i32
      %add3A_702 = vector.broadcast %add3A_701 : i32 to vector<16xi32>
      %add3A_703 = arith.addi %shift_right_logical3A_646, %add3A_702 : vector<16xi32>
      %gather3A_704 = tpu.vector_load_idx %arg6[%add3A_703, %and3A_649] : memref<384x128xf32, #tpu.memory_space<vmem>>[vector<16xi32>, vector<16xi32>], vector<16xf32>,
      %add3A_705 = arith.constant 32 : i32
      %add3A_706 = arith.addi %add3A_705, %select_n3A_673 : i32
      %swap3A_707 = arith.index_cast %add3A_706 : i32 to index
      %swap3A_708 = arith.index_cast %mul3A_691 : i32 to index
      %swap3A_709 = tpu.vector_load %arg7[%swap3A_707, %swap3A_708] {strides = array<i32>} : memref<96x128xf32, #tpu.memory_space<vmem>>, vector<16xf32>,
      tpu.vector_store %arg7[%swap3A_707, %swap3A_708], %gather3A_704 {strides = array<i32>} : memref<96x128xf32, #tpu.memory_space<vmem>>, vector<16xf32>,
      %add3A_710 = arith.constant 256 : i32
      %add3A_711 = vector.broadcast %add3A_710 : i32 to vector<16xi32>
      %add3A_712 = arith.addi %shift_right_logical3A_646, %add3A_711 : vector<16xi32>
      %gather3A_713 = tpu.vector_load_idx %arg6[%add3A_712, %and3A_649] : memref<384x128xf32, #tpu.memory_space<vmem>>[vector<16xi32>, vector<16xi32>], vector<16xf32>,
      %add3A_714 = arith.constant 64 : i32
      %add3A_715 = arith.addi %add3A_714, %select_n3A_673 : i32
      %swap3A_716 = arith.index_cast %add3A_715 : i32 to index
      %swap3A_717 = arith.index_cast %mul3A_691 : i32 to index
      %swap3A_718 = tpu.vector_load %arg7[%swap3A_716, %swap3A_717] {strides = array<i32>} : memref<96x128xf32, #tpu.memory_space<vmem>>, vector<16xf32>,
      tpu.vector_store %arg7[%swap3A_716, %swap3A_717], %gather3A_713 {strides = array<i32>} : memref<96x128xf32, #tpu.memory_space<vmem>>, vector<16xf32>,
      %scan3A_719 = arith.constant 4 : i32
      %scan3A_720 = arith.addi %scan3A_400, %scan3A_719 : i32
      %mul3A_721 = arith.constant 16 : i32
      %mul3A_722 = arith.muli %scan3A_720, %mul3A_721 : i32
      %get3A_723 = arith.index_cast %mul3A_722 : i32 to index
      %get3A_724 = tpu.vector_load %arg5[%get3A_723] {strides = array<i32>} : memref<4096xi32, #tpu.memory_space<vmem>>, vector<16xi32>,
      %shift_right_logical3A_725 = arith.constant 7 : i32
      %shift_right_logical3A_726 = vector.broadcast %shift_right_logical3A_725 : i32 to vector<16xi32>
      %shift_right_logical3A_727 = arith.shrui %get3A_724, %shift_right_logical3A_726 : vector<16xi32>
      %and3A_728 = arith.constant 127 : i32
      %and3A_729 = vector.broadcast %and3A_728 : i32 to vector<16xi32>
      %and3A_730 = arith.andi %get3A_724, %and3A_729 : vector<16xi32>
      %jit3A_731 = arith.constant 8 : i32
      %div3A_732 = arith.divsi %scan3A_720, %jit3A_731 : i32
      %sign3A_733 = arith.constant 0 : i32
      %sign3A_734 = arith.cmpi sgt, %scan3A_720, %sign3A_733 : i32
      %sign3A_735 = arith.extui %sign3A_734 : i1 to i32
      %sign3A_736 = arith.constant 0 : i32
      %sign3A_737 = arith.cmpi slt, %scan3A_720, %sign3A_736 : i32
      %sign3A_738 = arith.extui %sign3A_737 : i1 to i32
      %sign3A_739 = arith.subi %sign3A_735, %sign3A_738 : i32
      %sign3A_740 = arith.constant 0 : i32
      %sign3A_741 = arith.cmpi sgt, %jit3A_731, %sign3A_740 : i32
      %sign3A_742 = arith.extui %sign3A_741 : i1 to i32
      %sign3A_743 = arith.constant 0 : i32
      %sign3A_744 = arith.cmpi slt, %jit3A_731, %sign3A_743 : i32
      %sign3A_745 = arith.extui %sign3A_744 : i1 to i32
      %sign3A_746 = arith.subi %sign3A_742, %sign3A_745 : i32
      %ne3A_747 = arith.cmpi ne, %sign3A_739, %sign3A_746 : i32
      %rem3A_748 = arith.remsi %scan3A_720, %jit3A_731 : i32
      %ne3A_749 = arith.constant 0 : i32
      %ne3A_750 = arith.cmpi ne, %rem3A_748, %ne3A_749 : i32
      %and3A_751 = arith.andi %ne3A_747, %ne3A_750 : i1
      %sub3A_752 = arith.constant 1 : i32
      %sub3A_753 = arith.subi %div3A_732, %sub3A_752 : i32
      %select_n3A_754 = arith.select %and3A_751, %sub3A_753, %div3A_732 : i32
      %jit3A_755 = arith.constant 8 : i32
      %eq3A_756 = arith.constant 0 : i32
      %eq3A_757 = arith.cmpi eq, %jit3A_755, %eq3A_756 : i32
      %jit3A_758 = arith.constant 1 : i32
      %select_n3A_759 = arith.select %eq3A_757, %jit3A_758, %jit3A_755 : i32
      %rem3A_760 = arith.remsi %scan3A_720, %select_n3A_759 : i32
      %ne3A_761 = arith.constant 0 : i32
      %ne3A_762 = arith.cmpi ne, %rem3A_760, %ne3A_761 : i32
      %lt3A_763 = arith.constant 0 : i32
      %lt3A_764 = arith.cmpi slt, %rem3A_760, %lt3A_763 : i32
      %lt3A_765 = arith.constant 0 : i32
      %lt3A_766 = arith.cmpi slt, %select_n3A_759, %lt3A_765 : i32
      %ne3A_767 = arith.xori %lt3A_764, %lt3A_766 : i1
      %and3A_768 = arith.andi %ne3A_767, %ne3A_762 : i1
      %add3A_769 = arith.addi %rem3A_760, %select_n3A_759 : i32
      %select_n3A_770 = arith.select %and3A_768, %add3A_769, %rem3A_760 : i32
      %mul3A_771 = arith.constant 16 : i32
      %mul3A_772 = arith.muli %select_n3A_770, %mul3A_771 : i32
      %add3A_773 = arith.constant 0 : i32
      %add3A_774 = vector.broadcast %add3A_773 : i32 to vector<16xi32>
      %add3A_775 = arith.addi %shift_right_logical3A_727, %add3A_774 : vector<16xi32>
      %gather3A_776 = tpu.vector_load_idx %arg6[%add3A_775, %and3A_730] : memref<384x128xf32, #tpu.memory_space<vmem>>[vector<16xi32>, vector<16xi32>], vector<16xf32>,
      %add3A_777 = arith.constant 0 : i32
      %add3A_778 = arith.addi %add3A_777, %select_n3A_754 : i32
      %swap3A_779 = arith.index_cast %add3A_778 : i32 to index
      %swap3A_780 = arith.index_cast %mul3A_772 : i32 to index
      %swap3A_781 = tpu.vector_load %arg7[%swap3A_779, %swap3A_780] {strides = array<i32>} : memref<96x128xf32, #tpu.memory_space<vmem>>, vector<16xf32>,
      tpu.vector_store %arg7[%swap3A_779, %swap3A_780], %gather3A_776 {strides = array<i32>} : memref<96x128xf32, #tpu.memory_space<vmem>>, vector<16xf32>,
      %add3A_782 = arith.constant 128 : i32
      %add3A_783 = vector.broadcast %add3A_782 : i32 to vector<16xi32>
      %add3A_784 = arith.addi %shift_right_logical3A_727, %add3A_783 : vector<16xi32>
      %gather3A_785 = tpu.vector_load_idx %arg6[%add3A_784, %and3A_730] : memref<384x128xf32, #tpu.memory_space<vmem>>[vector<16xi32>, vector<16xi32>], vector<16xf32>,
      %add3A_786 = arith.constant 32 : i32
      %add3A_787 = arith.addi %add3A_786, %select_n3A_754 : i32
      %swap3A_788 = arith.index_cast %add3A_787 : i32 to index
      %swap3A_789 = arith.index_cast %mul3A_772 : i32 to index
      %swap3A_790 = tpu.vector_load %arg7[%swap3A_788, %swap3A_789] {strides = array<i32>} : memref<96x128xf32, #tpu.memory_space<vmem>>, vector<16xf32>,
      tpu.vector_store %arg7[%swap3A_788, %swap3A_789], %gather3A_785 {strides = array<i32>} : memref<96x128xf32, #tpu.memory_space<vmem>>, vector<16xf32>,
      %add3A_791 = arith.constant 256 : i32
      %add3A_792 = vector.broadcast %add3A_791 : i32 to vector<16xi32>
      %add3A_793 = arith.addi %shift_right_logical3A_727, %add3A_792 : vector<16xi32>
      %gather3A_794 = tpu.vector_load_idx %arg6[%add3A_793, %and3A_730] : memref<384x128xf32, #tpu.memory_space<vmem>>[vector<16xi32>, vector<16xi32>], vector<16xf32>,
      %add3A_795 = arith.constant 64 : i32
      %add3A_796 = arith.addi %add3A_795, %select_n3A_754 : i32
      %swap3A_797 = arith.index_cast %add3A_796 : i32 to index
      %swap3A_798 = arith.index_cast %mul3A_772 : i32 to index
      %swap3A_799 = tpu.vector_load %arg7[%swap3A_797, %swap3A_798] {strides = array<i32>} : memref<96x128xf32, #tpu.memory_space<vmem>>, vector<16xf32>,
      tpu.vector_store %arg7[%swap3A_797, %swap3A_798], %gather3A_794 {strides = array<i32>} : memref<96x128xf32, #tpu.memory_space<vmem>>, vector<16xf32>,
      %scan3A_800 = arith.constant 5 : i32
      %scan3A_801 = arith.addi %scan3A_400, %scan3A_800 : i32
      %mul3A_802 = arith.constant 16 : i32
      %mul3A_803 = arith.muli %scan3A_801, %mul3A_802 : i32
      %get3A_804 = arith.index_cast %mul3A_803 : i32 to index
      %get3A_805 = tpu.vector_load %arg5[%get3A_804] {strides = array<i32>} : memref<4096xi32, #tpu.memory_space<vmem>>, vector<16xi32>,
      %shift_right_logical3A_806 = arith.constant 7 : i32
      %shift_right_logical3A_807 = vector.broadcast %shift_right_logical3A_806 : i32 to vector<16xi32>
      %shift_right_logical3A_808 = arith.shrui %get3A_805, %shift_right_logical3A_807 : vector<16xi32>
      %and3A_809 = arith.constant 127 : i32
      %and3A_810 = vector.broadcast %and3A_809 : i32 to vector<16xi32>
      %and3A_811 = arith.andi %get3A_805, %and3A_810 : vector<16xi32>
      %jit3A_812 = arith.constant 8 : i32
      %div3A_813 = arith.divsi %scan3A_801, %jit3A_812 : i32
      %sign3A_814 = arith.constant 0 : i32
      %sign3A_815 = arith.cmpi sgt, %scan3A_801, %sign3A_814 : i32
      %sign3A_816 = arith.extui %sign3A_815 : i1 to i32
      %sign3A_817 = arith.constant 0 : i32
      %sign3A_818 = arith.cmpi slt, %scan3A_801, %sign3A_817 : i32
      %sign3A_819 = arith.extui %sign3A_818 : i1 to i32
      %sign3A_820 = arith.subi %sign3A_816, %sign3A_819 : i32
      %sign3A_821 = arith.constant 0 : i32
      %sign3A_822 = arith.cmpi sgt, %jit3A_812, %sign3A_821 : i32
      %sign3A_823 = arith.extui %sign3A_822 : i1 to i32
      %sign3A_824 = arith.constant 0 : i32
      %sign3A_825 = arith.cmpi slt, %jit3A_812, %sign3A_824 : i32
      %sign3A_826 = arith.extui %sign3A_825 : i1 to i32
      %sign3A_827 = arith.subi %sign3A_823, %sign3A_826 : i32
      %ne3A_828 = arith.cmpi ne, %sign3A_820, %sign3A_827 : i32
      %rem3A_829 = arith.remsi %scan3A_801, %jit3A_812 : i32
      %ne3A_830 = arith.constant 0 : i32
      %ne3A_831 = arith.cmpi ne, %rem3A_829, %ne3A_830 : i32
      %and3A_832 = arith.andi %ne3A_828, %ne3A_831 : i1
      %sub3A_833 = arith.constant 1 : i32
      %sub3A_834 = arith.subi %div3A_813, %sub3A_833 : i32
      %select_n3A_835 = arith.select %and3A_832, %sub3A_834, %div3A_813 : i32
      %jit3A_836 = arith.constant 8 : i32
      %eq3A_837 = arith.constant 0 : i32
      %eq3A_838 = arith.cmpi eq, %jit3A_836, %eq3A_837 : i32
      %jit3A_839 = arith.constant 1 : i32
      %select_n3A_840 = arith.select %eq3A_838, %jit3A_839, %jit3A_836 : i32
      %rem3A_841 = arith.remsi %scan3A_801, %select_n3A_840 : i32
      %ne3A_842 = arith.constant 0 : i32
      %ne3A_843 = arith.cmpi ne, %rem3A_841, %ne3A_842 : i32
      %lt3A_844 = arith.constant 0 : i32
      %lt3A_845 = arith.cmpi slt, %rem3A_841, %lt3A_844 : i32
      %lt3A_846 = arith.constant 0 : i32
      %lt3A_847 = arith.cmpi slt, %select_n3A_840, %lt3A_846 : i32
      %ne3A_848 = arith.xori %lt3A_845, %lt3A_847 : i1
      %and3A_849 = arith.andi %ne3A_848, %ne3A_843 : i1
      %add3A_850 = arith.addi %rem3A_841, %select_n3A_840 : i32
      %select_n3A_851 = arith.select %and3A_849, %add3A_850, %rem3A_841 : i32
      %mul3A_852 = arith.constant 16 : i32
      %mul3A_853 = arith.muli %select_n3A_851, %mul3A_852 : i32
      %add3A_854 = arith.constant 0 : i32
      %add3A_855 = vector.broadcast %add3A_854 : i32 to vector<16xi32>
      %add3A_856 = arith.addi %shift_right_logical3A_808, %add3A_855 : vector<16xi32>
      %gather3A_857 = tpu.vector_load_idx %arg6[%add3A_856, %and3A_811] : memref<384x128xf32, #tpu.memory_space<vmem>>[vector<16xi32>, vector<16xi32>], vector<16xf32>,
      %add3A_858 = arith.constant 0 : i32
      %add3A_859 = arith.addi %add3A_858, %select_n3A_835 : i32
      %swap3A_860 = arith.index_cast %add3A_859 : i32 to index
      %swap3A_861 = arith.index_cast %mul3A_853 : i32 to index
      %swap3A_862 = tpu.vector_load %arg7[%swap3A_860, %swap3A_861] {strides = array<i32>} : memref<96x128xf32, #tpu.memory_space<vmem>>, vector<16xf32>,
      tpu.vector_store %arg7[%swap3A_860, %swap3A_861], %gather3A_857 {strides = array<i32>} : memref<96x128xf32, #tpu.memory_space<vmem>>, vector<16xf32>,
      %add3A_863 = arith.constant 128 : i32
      %add3A_864 = vector.broadcast %add3A_863 : i32 to vector<16xi32>
      %add3A_865 = arith.addi %shift_right_logical3A_808, %add3A_864 : vector<16xi32>
      %gather3A_866 = tpu.vector_load_idx %arg6[%add3A_865, %and3A_811] : memref<384x128xf32, #tpu.memory_space<vmem>>[vector<16xi32>, vector<16xi32>], vector<16xf32>,
      %add3A_867 = arith.constant 32 : i32
      %add3A_868 = arith.addi %add3A_867, %select_n3A_835 : i32
      %swap3A_869 = arith.index_cast %add3A_868 : i32 to index
      %swap3A_870 = arith.index_cast %mul3A_853 : i32 to index
      %swap3A_871 = tpu.vector_load %arg7[%swap3A_869, %swap3A_870] {strides = array<i32>} : memref<96x128xf32, #tpu.memory_space<vmem>>, vector<16xf32>,
      tpu.vector_store %arg7[%swap3A_869, %swap3A_870], %gather3A_866 {strides = array<i32>} : memref<96x128xf32, #tpu.memory_space<vmem>>, vector<16xf32>,
      %add3A_872 = arith.constant 256 : i32
      %add3A_873 = vector.broadcast %add3A_872 : i32 to vector<16xi32>
      %add3A_874 = arith.addi %shift_right_logical3A_808, %add3A_873 : vector<16xi32>
      %gather3A_875 = tpu.vector_load_idx %arg6[%add3A_874, %and3A_811] : memref<384x128xf32, #tpu.memory_space<vmem>>[vector<16xi32>, vector<16xi32>], vector<16xf32>,
      %add3A_876 = arith.constant 64 : i32
      %add3A_877 = arith.addi %add3A_876, %select_n3A_835 : i32
      %swap3A_878 = arith.index_cast %add3A_877 : i32 to index
      %swap3A_879 = arith.index_cast %mul3A_853 : i32 to index
      %swap3A_880 = tpu.vector_load %arg7[%swap3A_878, %swap3A_879] {strides = array<i32>} : memref<96x128xf32, #tpu.memory_space<vmem>>, vector<16xf32>,
      tpu.vector_store %arg7[%swap3A_878, %swap3A_879], %gather3A_875 {strides = array<i32>} : memref<96x128xf32, #tpu.memory_space<vmem>>, vector<16xf32>,
      %scan3A_881 = arith.constant 6 : i32
      %scan3A_882 = arith.addi %scan3A_400, %scan3A_881 : i32
      %mul3A_883 = arith.constant 16 : i32
      %mul3A_884 = arith.muli %scan3A_882, %mul3A_883 : i32
      %get3A_885 = arith.index_cast %mul3A_884 : i32 to index
      %get3A_886 = tpu.vector_load %arg5[%get3A_885] {strides = array<i32>} : memref<4096xi32, #tpu.memory_space<vmem>>, vector<16xi32>,
      %shift_right_logical3A_887 = arith.constant 7 : i32
      %shift_right_logical3A_888 = vector.broadcast %shift_right_logical3A_887 : i32 to vector<16xi32>
      %shift_right_logical3A_889 = arith.shrui %get3A_886, %shift_right_logical3A_888 : vector<16xi32>
      %and3A_890 = arith.constant 127 : i32
      %and3A_891 = vector.broadcast %and3A_890 : i32 to vector<16xi32>
      %and3A_892 = arith.andi %get3A_886, %and3A_891 : vector<16xi32>
      %jit3A_893 = arith.constant 8 : i32
      %div3A_894 = arith.divsi %scan3A_882, %jit3A_893 : i32
      %sign3A_895 = arith.constant 0 : i32
      %sign3A_896 = arith.cmpi sgt, %scan3A_882, %sign3A_895 : i32
      %sign3A_897 = arith.extui %sign3A_896 : i1 to i32
      %sign3A_898 = arith.constant 0 : i32
      %sign3A_899 = arith.cmpi slt, %scan3A_882, %sign3A_898 : i32
      %sign3A_900 = arith.extui %sign3A_899 : i1 to i32
      %sign3A_901 = arith.subi %sign3A_897, %sign3A_900 : i32
      %sign3A_902 = arith.constant 0 : i32
      %sign3A_903 = arith.cmpi sgt, %jit3A_893, %sign3A_902 : i32
      %sign3A_904 = arith.extui %sign3A_903 : i1 to i32
      %sign3A_905 = arith.constant 0 : i32
      %sign3A_906 = arith.cmpi slt, %jit3A_893, %sign3A_905 : i32
      %sign3A_907 = arith.extui %sign3A_906 : i1 to i32
      %sign3A_908 = arith.subi %sign3A_904, %sign3A_907 : i32
      %ne3A_909 = arith.cmpi ne, %sign3A_901, %sign3A_908 : i32
      %rem3A_910 = arith.remsi %scan3A_882, %jit3A_893 : i32
      %ne3A_911 = arith.constant 0 : i32
      %ne3A_912 = arith.cmpi ne, %rem3A_910, %ne3A_911 : i32
      %and3A_913 = arith.andi %ne3A_909, %ne3A_912 : i1
      %sub3A_914 = arith.constant 1 : i32
      %sub3A_915 = arith.subi %div3A_894, %sub3A_914 : i32
      %select_n3A_916 = arith.select %and3A_913, %sub3A_915, %div3A_894 : i32
      %jit3A_917 = arith.constant 8 : i32
      %eq3A_918 = arith.constant 0 : i32
      %eq3A_919 = arith.cmpi eq, %jit3A_917, %eq3A_918 : i32
      %jit3A_920 = arith.constant 1 : i32
      %select_n3A_921 = arith.select %eq3A_919, %jit3A_920, %jit3A_917 : i32
      %rem3A_922 = arith.remsi %scan3A_882, %select_n3A_921 : i32
      %ne3A_923 = arith.constant 0 : i32
      %ne3A_924 = arith.cmpi ne, %rem3A_922, %ne3A_923 : i32
      %lt3A_925 = arith.constant 0 : i32
      %lt3A_926 = arith.cmpi slt, %rem3A_922, %lt3A_925 : i32
      %lt3A_927 = arith.constant 0 : i32
      %lt3A_928 = arith.cmpi slt, %select_n3A_921, %lt3A_927 : i32
      %ne3A_929 = arith.xori %lt3A_926, %lt3A_928 : i1
      %and3A_930 = arith.andi %ne3A_929, %ne3A_924 : i1
      %add3A_931 = arith.addi %rem3A_922, %select_n3A_921 : i32
      %select_n3A_932 = arith.select %and3A_930, %add3A_931, %rem3A_922 : i32
      %mul3A_933 = arith.constant 16 : i32
      %mul3A_934 = arith.muli %select_n3A_932, %mul3A_933 : i32
      %add3A_935 = arith.constant 0 : i32
      %add3A_936 = vector.broadcast %add3A_935 : i32 to vector<16xi32>
      %add3A_937 = arith.addi %shift_right_logical3A_889, %add3A_936 : vector<16xi32>
      %gather3A_938 = tpu.vector_load_idx %arg6[%add3A_937, %and3A_892] : memref<384x128xf32, #tpu.memory_space<vmem>>[vector<16xi32>, vector<16xi32>], vector<16xf32>,
      %add3A_939 = arith.constant 0 : i32
      %add3A_940 = arith.addi %add3A_939, %select_n3A_916 : i32
      %swap3A_941 = arith.index_cast %add3A_940 : i32 to index
      %swap3A_942 = arith.index_cast %mul3A_934 : i32 to index
      %swap3A_943 = tpu.vector_load %arg7[%swap3A_941, %swap3A_942] {strides = array<i32>} : memref<96x128xf32, #tpu.memory_space<vmem>>, vector<16xf32>,
      tpu.vector_store %arg7[%swap3A_941, %swap3A_942], %gather3A_938 {strides = array<i32>} : memref<96x128xf32, #tpu.memory_space<vmem>>, vector<16xf32>,
      %add3A_944 = arith.constant 128 : i32
      %add3A_945 = vector.broadcast %add3A_944 : i32 to vector<16xi32>
      %add3A_946 = arith.addi %shift_right_logical3A_889, %add3A_945 : vector<16xi32>
      %gather3A_947 = tpu.vector_load_idx %arg6[%add3A_946, %and3A_892] : memref<384x128xf32, #tpu.memory_space<vmem>>[vector<16xi32>, vector<16xi32>], vector<16xf32>,
      %add3A_948 = arith.constant 32 : i32
      %add3A_949 = arith.addi %add3A_948, %select_n3A_916 : i32
      %swap3A_950 = arith.index_cast %add3A_949 : i32 to index
      %swap3A_951 = arith.index_cast %mul3A_934 : i32 to index
      %swap3A_952 = tpu.vector_load %arg7[%swap3A_950, %swap3A_951] {strides = array<i32>} : memref<96x128xf32, #tpu.memory_space<vmem>>, vector<16xf32>,
      tpu.vector_store %arg7[%swap3A_950, %swap3A_951], %gather3A_947 {strides = array<i32>} : memref<96x128xf32, #tpu.memory_space<vmem>>, vector<16xf32>,
      %add3A_953 = arith.constant 256 : i32
      %add3A_954 = vector.broadcast %add3A_953 : i32 to vector<16xi32>
      %add3A_955 = arith.addi %shift_right_logical3A_889, %add3A_954 : vector<16xi32>
      %gather3A_956 = tpu.vector_load_idx %arg6[%add3A_955, %and3A_892] : memref<384x128xf32, #tpu.memory_space<vmem>>[vector<16xi32>, vector<16xi32>], vector<16xf32>,
      %add3A_957 = arith.constant 64 : i32
      %add3A_958 = arith.addi %add3A_957, %select_n3A_916 : i32
      %swap3A_959 = arith.index_cast %add3A_958 : i32 to index
      %swap3A_960 = arith.index_cast %mul3A_934 : i32 to index
      %swap3A_961 = tpu.vector_load %arg7[%swap3A_959, %swap3A_960] {strides = array<i32>} : memref<96x128xf32, #tpu.memory_space<vmem>>, vector<16xf32>,
      tpu.vector_store %arg7[%swap3A_959, %swap3A_960], %gather3A_956 {strides = array<i32>} : memref<96x128xf32, #tpu.memory_space<vmem>>, vector<16xf32>,
      %scan3A_962 = arith.constant 7 : i32
      %scan3A_963 = arith.addi %scan3A_400, %scan3A_962 : i32
      %mul3A_964 = arith.constant 16 : i32
      %mul3A_965 = arith.muli %scan3A_963, %mul3A_964 : i32
      %get3A_966 = arith.index_cast %mul3A_965 : i32 to index
      %get3A_967 = tpu.vector_load %arg5[%get3A_966] {strides = array<i32>} : memref<4096xi32, #tpu.memory_space<vmem>>, vector<16xi32>,
      %shift_right_logical3A_968 = arith.constant 7 : i32
      %shift_right_logical3A_969 = vector.broadcast %shift_right_logical3A_968 : i32 to vector<16xi32>
      %shift_right_logical3A_970 = arith.shrui %get3A_967, %shift_right_logical3A_969 : vector<16xi32>
      %and3A_971 = arith.constant 127 : i32
      %and3A_972 = vector.broadcast %and3A_971 : i32 to vector<16xi32>
      %and3A_973 = arith.andi %get3A_967, %and3A_972 : vector<16xi32>
      %jit3A_974 = arith.constant 8 : i32
      %div3A_975 = arith.divsi %scan3A_963, %jit3A_974 : i32
      %sign3A_976 = arith.constant 0 : i32
      %sign3A_977 = arith.cmpi sgt, %scan3A_963, %sign3A_976 : i32
      %sign3A_978 = arith.extui %sign3A_977 : i1 to i32
      %sign3A_979 = arith.constant 0 : i32
      %sign3A_980 = arith.cmpi slt, %scan3A_963, %sign3A_979 : i32
      %sign3A_981 = arith.extui %sign3A_980 : i1 to i32
      %sign3A_982 = arith.subi %sign3A_978, %sign3A_981 : i32
      %sign3A_983 = arith.constant 0 : i32
      %sign3A_984 = arith.cmpi sgt, %jit3A_974, %sign3A_983 : i32
      %sign3A_985 = arith.extui %sign3A_984 : i1 to i32
      %sign3A_986 = arith.constant 0 : i32
      %sign3A_987 = arith.cmpi slt, %jit3A_974, %sign3A_986 : i32
      %sign3A_988 = arith.extui %sign3A_987 : i1 to i32
      %sign3A_989 = arith.subi %sign3A_985, %sign3A_988 : i32
      %ne3A_990 = arith.cmpi ne, %sign3A_982, %sign3A_989 : i32
      %rem3A_991 = arith.remsi %scan3A_963, %jit3A_974 : i32
      %ne3A_992 = arith.constant 0 : i32
      %ne3A_993 = arith.cmpi ne, %rem3A_991, %ne3A_992 : i32
      %and3A_994 = arith.andi %ne3A_990, %ne3A_993 : i1
      %sub3A_995 = arith.constant 1 : i32
      %sub3A_996 = arith.subi %div3A_975, %sub3A_995 : i32
      %select_n3A_997 = arith.select %and3A_994, %sub3A_996, %div3A_975 : i32
      %jit3A_998 = arith.constant 8 : i32
      %eq3A_999 = arith.constant 0 : i32
      %eq3A_1000 = arith.cmpi eq, %jit3A_998, %eq3A_999 : i32
      %jit3A_1001 = arith.constant 1 : i32
      %select_n3A_1002 = arith.select %eq3A_1000, %jit3A_1001, %jit3A_998 : i32
      %rem3A_1003 = arith.remsi %scan3A_963, %select_n3A_1002 : i32
      %ne3A_1004 = arith.constant 0 : i32
      %ne3A_1005 = arith.cmpi ne, %rem3A_1003, %ne3A_1004 : i32
      %lt3A_1006 = arith.constant 0 : i32
      %lt3A_1007 = arith.cmpi slt, %rem3A_1003, %lt3A_1006 : i32
      %lt3A_1008 = arith.constant 0 : i32
      %lt3A_1009 = arith.cmpi slt, %select_n3A_1002, %lt3A_1008 : i32
      %ne3A_1010 = arith.xori %lt3A_1007, %lt3A_1009 : i1
      %and3A_1011 = arith.andi %ne3A_1010, %ne3A_1005 : i1
      %add3A_1012 = arith.addi %rem3A_1003, %select_n3A_1002 : i32
      %select_n3A_1013 = arith.select %and3A_1011, %add3A_1012, %rem3A_1003 : i32
      %mul3A_1014 = arith.constant 16 : i32
      %mul3A_1015 = arith.muli %select_n3A_1013, %mul3A_1014 : i32
      %add3A_1016 = arith.constant 0 : i32
      %add3A_1017 = vector.broadcast %add3A_1016 : i32 to vector<16xi32>
      %add3A_1018 = arith.addi %shift_right_logical3A_970, %add3A_1017 : vector<16xi32>
      %gather3A_1019 = tpu.vector_load_idx %arg6[%add3A_1018, %and3A_973] : memref<384x128xf32, #tpu.memory_space<vmem>>[vector<16xi32>, vector<16xi32>], vector<16xf32>,
      %add3A_1020 = arith.constant 0 : i32
      %add3A_1021 = arith.addi %add3A_1020, %select_n3A_997 : i32
      %swap3A_1022 = arith.index_cast %add3A_1021 : i32 to index
      %swap3A_1023 = arith.index_cast %mul3A_1015 : i32 to index
      %swap3A_1024 = tpu.vector_load %arg7[%swap3A_1022, %swap3A_1023] {strides = array<i32>} : memref<96x128xf32, #tpu.memory_space<vmem>>, vector<16xf32>,
      tpu.vector_store %arg7[%swap3A_1022, %swap3A_1023], %gather3A_1019 {strides = array<i32>} : memref<96x128xf32, #tpu.memory_space<vmem>>, vector<16xf32>,
      %add3A_1025 = arith.constant 128 : i32
      %add3A_1026 = vector.broadcast %add3A_1025 : i32 to vector<16xi32>
      %add3A_1027 = arith.addi %shift_right_logical3A_970, %add3A_1026 : vector<16xi32>
      %gather3A_1028 = tpu.vector_load_idx %arg6[%add3A_1027, %and3A_973] : memref<384x128xf32, #tpu.memory_space<vmem>>[vector<16xi32>, vector<16xi32>], vector<16xf32>,
      %add3A_1029 = arith.constant 32 : i32
      %add3A_1030 = arith.addi %add3A_1029, %select_n3A_997 : i32
      %swap3A_1031 = arith.index_cast %add3A_1030 : i32 to index
      %swap3A_1032 = arith.index_cast %mul3A_1015 : i32 to index
      %swap3A_1033 = tpu.vector_load %arg7[%swap3A_1031, %swap3A_1032] {strides = array<i32>} : memref<96x128xf32, #tpu.memory_space<vmem>>, vector<16xf32>,
      tpu.vector_store %arg7[%swap3A_1031, %swap3A_1032], %gather3A_1028 {strides = array<i32>} : memref<96x128xf32, #tpu.memory_space<vmem>>, vector<16xf32>,
      %add3A_1034 = arith.constant 256 : i32
      %add3A_1035 = vector.broadcast %add3A_1034 : i32 to vector<16xi32>
      %add3A_1036 = arith.addi %shift_right_logical3A_970, %add3A_1035 : vector<16xi32>
      %gather3A_1037 = tpu.vector_load_idx %arg6[%add3A_1036, %and3A_973] : memref<384x128xf32, #tpu.memory_space<vmem>>[vector<16xi32>, vector<16xi32>], vector<16xf32>,
      %add3A_1038 = arith.constant 64 : i32
      %add3A_1039 = arith.addi %add3A_1038, %select_n3A_997 : i32
      %swap3A_1040 = arith.index_cast %add3A_1039 : i32 to index
      %swap3A_1041 = arith.index_cast %mul3A_1015 : i32 to index
      %swap3A_1042 = tpu.vector_load %arg7[%swap3A_1040, %swap3A_1041] {strides = array<i32>} : memref<96x128xf32, #tpu.memory_space<vmem>>, vector<16xf32>,
      tpu.vector_store %arg7[%swap3A_1040, %swap3A_1041], %gather3A_1037 {strides = array<i32>} : memref<96x128xf32, #tpu.memory_space<vmem>>, vector<16xf32>,
    }
    %scan3A_213 = arith.constant 128 : i32
    %add3A_214 = arith.constant 0 : i32
    %add3A_215 = arith.addi %add3A_214, %select_n3A : i32
    %dma_start3A_216 = arith.constant 0 : i32
    %dma_start3A_217 = arith.constant 0 : i32
    %dma_start3A_218 = tpu.memref_slice %arg7[%dma_start3A_216, %dma_start3A_217] : memref<96x128xf32, #tpu.memory_space<vmem>> -> memref<16x128xf32, #tpu.memory_space<vmem>>
    %dma_start3A_219 = arith.constant 0 : i32
    %dma_start3A_220 = arith.constant 0 : i32
    %dma_start3A_221 = tpu.memref_slice %arg4[%add3A_215, %dma_start3A_219, %select_n3A_30, %dma_start3A_220] : memref<12x32x8x128xf32, #tpu.memory_space<hbm>> -> memref<1x16x1x128xf32, #tpu.memory_space<hbm>>
    %dma_start3A_222 = tpu.memref_squeeze %dma_start3A_221 : memref<1x16x1x128xf32, #tpu.memory_space<hbm>> -> memref<16x128xf32, #tpu.memory_space<hbm>>
    %dma_start3A_223 = arith.constant 0 : i32
    %dma_start3A_224 = arith.constant 0 : i32
    %dma_start3A_225 = tpu.memref_slice %arg4[%add3A_215, %dma_start3A_223, %select_n3A_30, %dma_start3A_224] : memref<12x32x8x128xf32, #tpu.memory_space<hbm>> -> memref<1x16x1x128xf32, #tpu.memory_space<hbm>>
    %dma_start3A_226 = tpu.memref_squeeze %dma_start3A_225 : memref<1x16x1x128xf32, #tpu.memory_space<hbm>> -> memref<16x128xf32, #tpu.memory_space<hbm>>
    %dma_start3A_227 = arith.constant 0 : i32
    %dma_start3A_228 = arith.constant 0 : i32
    %dma_start3A_229 = tpu.memref_slice %arg7[%dma_start3A_227, %dma_start3A_228] : memref<96x128xf32, #tpu.memory_space<vmem>> -> memref<16x128xf32, #tpu.memory_space<vmem>>
    tpu.enqueue_dma source(%dma_start3A_229 : memref<16x128xf32, #tpu.memory_space<vmem>>) target(%dma_start3A_226 : memref<16x128xf32, #tpu.memory_space<hbm>>) target_semaphore(%arg9 : memref<!tpu.dma_semaphore, #tpu.memory_space<semaphore_mem>>)
    %add3A_230 = arith.constant 4 : i32
    %add3A_231 = arith.addi %add3A_230, %select_n3A : i32
    %dma_start3A_232 = arith.constant 32 : i32
    %dma_start3A_233 = arith.constant 0 : i32
    %dma_start3A_234 = tpu.memref_slice %arg7[%dma_start3A_232, %dma_start3A_233] : memref<96x128xf32, #tpu.memory_space<vmem>> -> memref<16x128xf32, #tpu.memory_space<vmem>>
    %dma_start3A_235 = arith.constant 0 : i32
    %dma_start3A_236 = arith.constant 0 : i32
    %dma_start3A_237 = tpu.memref_slice %arg4[%add3A_231, %dma_start3A_235, %select_n3A_30, %dma_start3A_236] : memref<12x32x8x128xf32, #tpu.memory_space<hbm>> -> memref<1x16x1x128xf32, #tpu.memory_space<hbm>>
    %dma_start3A_238 = tpu.memref_squeeze %dma_start3A_237 : memref<1x16x1x128xf32, #tpu.memory_space<hbm>> -> memref<16x128xf32, #tpu.memory_space<hbm>>
    %dma_start3A_239 = arith.constant 0 : i32
    %dma_start3A_240 = arith.constant 0 : i32
    %dma_start3A_241 = tpu.memref_slice %arg4[%add3A_231, %dma_start3A_239, %select_n3A_30, %dma_start3A_240] : memref<12x32x8x128xf32, #tpu.memory_space<hbm>> -> memref<1x16x1x128xf32, #tpu.memory_space<hbm>>
    %dma_start3A_242 = tpu.memref_squeeze %dma_start3A_241 : memref<1x16x1x128xf32, #tpu.memory_space<hbm>> -> memref<16x128xf32, #tpu.memory_space<hbm>>
    %dma_start3A_243 = arith.constant 32 : i32
    %dma_start3A_244 = arith.constant 0 : i32
    %dma_start3A_245 = tpu.memref_slice %arg7[%dma_start3A_243, %dma_start3A_244] : memref<96x128xf32, #tpu.memory_space<vmem>> -> memref<16x128xf32, #tpu.memory_space<vmem>>
    tpu.enqueue_dma source(%dma_start3A_245 : memref<16x128xf32, #tpu.memory_space<vmem>>) target(%dma_start3A_242 : memref<16x128xf32, #tpu.memory_space<hbm>>) target_semaphore(%arg10 : memref<!tpu.dma_semaphore, #tpu.memory_space<semaphore_mem>>)
    %add3A_246 = arith.constant 8 : i32
    %add3A_247 = arith.addi %add3A_246, %select_n3A : i32
    %dma_start3A_248 = arith.constant 64 : i32
    %dma_start3A_249 = arith.constant 0 : i32
    %dma_start3A_250 = tpu.memref_slice %arg7[%dma_start3A_248, %dma_start3A_249] : memref<96x128xf32, #tpu.memory_space<vmem>> -> memref<16x128xf32, #tpu.memory_space<vmem>>
    %dma_start3A_251 = arith.constant 0 : i32
    %dma_start3A_252 = arith.constant 0 : i32
    %dma_start3A_253 = tpu.memref_slice %arg4[%add3A_247, %dma_start3A_251, %select_n3A_30, %dma_start3A_252] : memref<12x32x8x128xf32, #tpu.memory_space<hbm>> -> memref<1x16x1x128xf32, #tpu.memory_space<hbm>>
    %dma_start3A_254 = tpu.memref_squeeze %dma_start3A_253 : memref<1x16x1x128xf32, #tpu.memory_space<hbm>> -> memref<16x128xf32, #tpu.memory_space<hbm>>
    %dma_start3A_255 = arith.constant 0 : i32
    %dma_start3A_256 = arith.constant 0 : i32
    %dma_start3A_257 = tpu.memref_slice %arg4[%add3A_247, %dma_start3A_255, %select_n3A_30, %dma_start3A_256] : memref<12x32x8x128xf32, #tpu.memory_space<hbm>> -> memref<1x16x1x128xf32, #tpu.memory_space<hbm>>
    %dma_start3A_258 = tpu.memref_squeeze %dma_start3A_257 : memref<1x16x1x128xf32, #tpu.memory_space<hbm>> -> memref<16x128xf32, #tpu.memory_space<hbm>>
    %dma_start3A_259 = arith.constant 64 : i32
    %dma_start3A_260 = arith.constant 0 : i32
    %dma_start3A_261 = tpu.memref_slice %arg7[%dma_start3A_259, %dma_start3A_260] : memref<96x128xf32, #tpu.memory_space<vmem>> -> memref<16x128xf32, #tpu.memory_space<vmem>>
    tpu.enqueue_dma source(%dma_start3A_261 : memref<16x128xf32, #tpu.memory_space<vmem>>) target(%dma_start3A_258 : memref<16x128xf32, #tpu.memory_space<hbm>>) target_semaphore(%arg11 : memref<!tpu.dma_semaphore, #tpu.memory_space<semaphore_mem>>)
    %scan3A_262 = arith.constant 0 : i32
    %scan3A_263 = arith.constant 128 : i32
    %scan3A_264 = arith.constant 128 : i32
    %scan3A_265 = arith.addi %scan3A_263, %scan3A_264 : i32
    %scan3A_266 = arith.constant 8 : i32
    scf.for %scan3A_400 = %scan3A_263 to %scan3A_265 step %scan3A_266  : i32 {
      %mul3A_401 = arith.constant 16 : i32
      %mul3A_402 = arith.muli %scan3A_400, %mul3A_401 : i32
      %get3A = arith.index_cast %mul3A_402 : i32 to index
      %get3A_403 = tpu.vector_load %arg5[%get3A] {strides = array<i32>} : memref<4096xi32, #tpu.memory_space<vmem>>, vector<16xi32>,
      %shift_right_logical3A = arith.constant 7 : i32
      %shift_right_logical3A_404 = vector.broadcast %shift_right_logical3A : i32 to vector<16xi32>
      %shift_right_logical3A_405 = arith.shrui %get3A_403, %shift_right_logical3A_404 : vector<16xi32>
      %and3A_406 = arith.constant 127 : i32
      %and3A_407 = vector.broadcast %and3A_406 : i32 to vector<16xi32>
      %and3A_408 = arith.andi %get3A_403, %and3A_407 : vector<16xi32>
      %jit3A_409 = arith.constant 8 : i32
      %div3A_410 = arith.divsi %scan3A_400, %jit3A_409 : i32
      %sign3A_411 = arith.constant 0 : i32
      %sign3A_412 = arith.cmpi sgt, %scan3A_400, %sign3A_411 : i32
      %sign3A_413 = arith.extui %sign3A_412 : i1 to i32
      %sign3A_414 = arith.constant 0 : i32
      %sign3A_415 = arith.cmpi slt, %scan3A_400, %sign3A_414 : i32
      %sign3A_416 = arith.extui %sign3A_415 : i1 to i32
      %sign3A_417 = arith.subi %sign3A_413, %sign3A_416 : i32
      %sign3A_418 = arith.constant 0 : i32
      %sign3A_419 = arith.cmpi sgt, %jit3A_409, %sign3A_418 : i32
      %sign3A_420 = arith.extui %sign3A_419 : i1 to i32
      %sign3A_421 = arith.constant 0 : i32
      %sign3A_422 = arith.cmpi slt, %jit3A_409, %sign3A_421 : i32
      %sign3A_423 = arith.extui %sign3A_422 : i1 to i32
      %sign3A_424 = arith.subi %sign3A_420, %sign3A_423 : i32
      %ne3A_425 = arith.cmpi ne, %sign3A_417, %sign3A_424 : i32
      %rem3A_426 = arith.remsi %scan3A_400, %jit3A_409 : i32
      %ne3A_427 = arith.constant 0 : i32
      %ne3A_428 = arith.cmpi ne, %rem3A_426, %ne3A_427 : i32
      %and3A_429 = arith.andi %ne3A_425, %ne3A_428 : i1
      %sub3A_430 = arith.constant 1 : i32
      %sub3A_431 = arith.subi %div3A_410, %sub3A_430 : i32
      %select_n3A_432 = arith.select %and3A_429, %sub3A_431, %div3A_410 : i32
      %jit3A_433 = arith.constant 8 : i32
      %eq3A_434 = arith.constant 0 : i32
      %eq3A_435 = arith.cmpi eq, %jit3A_433, %eq3A_434 : i32
      %jit3A_436 = arith.constant 1 : i32
      %select_n3A_437 = arith.select %eq3A_435, %jit3A_436, %jit3A_433 : i32
      %rem3A_438 = arith.remsi %scan3A_400, %select_n3A_437 : i32
      %ne3A_439 = arith.constant 0 : i32
      %ne3A_440 = arith.cmpi ne, %rem3A_438, %ne3A_439 : i32
      %lt3A_441 = arith.constant 0 : i32
      %lt3A_442 = arith.cmpi slt, %rem3A_438, %lt3A_441 : i32
      %lt3A_443 = arith.constant 0 : i32
      %lt3A_444 = arith.cmpi slt, %select_n3A_437, %lt3A_443 : i32
      %ne3A_445 = arith.xori %lt3A_442, %lt3A_444 : i1
      %and3A_446 = arith.andi %ne3A_445, %ne3A_440 : i1
      %add3A_447 = arith.addi %rem3A_438, %select_n3A_437 : i32
      %select_n3A_448 = arith.select %and3A_446, %add3A_447, %rem3A_438 : i32
      %mul3A_449 = arith.constant 16 : i32
      %mul3A_450 = arith.muli %select_n3A_448, %mul3A_449 : i32
      %add3A_451 = arith.constant 0 : i32
      %add3A_452 = vector.broadcast %add3A_451 : i32 to vector<16xi32>
      %add3A_453 = arith.addi %shift_right_logical3A_405, %add3A_452 : vector<16xi32>
      %gather3A = tpu.vector_load_idx %arg6[%add3A_453, %and3A_408] : memref<384x128xf32, #tpu.memory_space<vmem>>[vector<16xi32>, vector<16xi32>], vector<16xf32>,
      %add3A_454 = arith.constant 0 : i32
      %add3A_455 = arith.addi %add3A_454, %select_n3A_432 : i32
      %swap3A = arith.index_cast %add3A_455 : i32 to index
      %swap3A_456 = arith.index_cast %mul3A_450 : i32 to index
      %swap3A_457 = tpu.vector_load %arg7[%swap3A, %swap3A_456] {strides = array<i32>} : memref<96x128xf32, #tpu.memory_space<vmem>>, vector<16xf32>,
      tpu.vector_store %arg7[%swap3A, %swap3A_456], %gather3A {strides = array<i32>} : memref<96x128xf32, #tpu.memory_space<vmem>>, vector<16xf32>,
      %add3A_458 = arith.constant 128 : i32
      %add3A_459 = vector.broadcast %add3A_458 : i32 to vector<16xi32>
      %add3A_460 = arith.addi %shift_right_logical3A_405, %add3A_459 : vector<16xi32>
      %gather3A_461 = tpu.vector_load_idx %arg6[%add3A_460, %and3A_408] : memref<384x128xf32, #tpu.memory_space<vmem>>[vector<16xi32>, vector<16xi32>], vector<16xf32>,
      %add3A_462 = arith.constant 32 : i32
      %add3A_463 = arith.addi %add3A_462, %select_n3A_432 : i32
      %swap3A_464 = arith.index_cast %add3A_463 : i32 to index
      %swap3A_465 = arith.index_cast %mul3A_450 : i32 to index
      %swap3A_466 = tpu.vector_load %arg7[%swap3A_464, %swap3A_465] {strides = array<i32>} : memref<96x128xf32, #tpu.memory_space<vmem>>, vector<16xf32>,
      tpu.vector_store %arg7[%swap3A_464, %swap3A_465], %gather3A_461 {strides = array<i32>} : memref<96x128xf32, #tpu.memory_space<vmem>>, vector<16xf32>,
      %add3A_467 = arith.constant 256 : i32
      %add3A_468 = vector.broadcast %add3A_467 : i32 to vector<16xi32>
      %add3A_469 = arith.addi %shift_right_logical3A_405, %add3A_468 : vector<16xi32>
      %gather3A_470 = tpu.vector_load_idx %arg6[%add3A_469, %and3A_408] : memref<384x128xf32, #tpu.memory_space<vmem>>[vector<16xi32>, vector<16xi32>], vector<16xf32>,
      %add3A_471 = arith.constant 64 : i32
      %add3A_472 = arith.addi %add3A_471, %select_n3A_432 : i32
      %swap3A_473 = arith.index_cast %add3A_472 : i32 to index
      %swap3A_474 = arith.index_cast %mul3A_450 : i32 to index
      %swap3A_475 = tpu.vector_load %arg7[%swap3A_473, %swap3A_474] {strides = array<i32>} : memref<96x128xf32, #tpu.memory_space<vmem>>, vector<16xf32>,
      tpu.vector_store %arg7[%swap3A_473, %swap3A_474], %gather3A_470 {strides = array<i32>} : memref<96x128xf32, #tpu.memory_space<vmem>>, vector<16xf32>,
      %scan3A_476 = arith.constant 1 : i32
      %scan3A_477 = arith.addi %scan3A_400, %scan3A_476 : i32
      %mul3A_478 = arith.constant 16 : i32
      %mul3A_479 = arith.muli %scan3A_477, %mul3A_478 : i32
      %get3A_480 = arith.index_cast %mul3A_479 : i32 to index
      %get3A_481 = tpu.vector_load %arg5[%get3A_480] {strides = array<i32>} : memref<4096xi32, #tpu.memory_space<vmem>>, vector<16xi32>,
      %shift_right_logical3A_482 = arith.constant 7 : i32
      %shift_right_logical3A_483 = vector.broadcast %shift_right_logical3A_482 : i32 to vector<16xi32>
      %shift_right_logical3A_484 = arith.shrui %get3A_481, %shift_right_logical3A_483 : vector<16xi32>
      %and3A_485 = arith.constant 127 : i32
      %and3A_486 = vector.broadcast %and3A_485 : i32 to vector<16xi32>
      %and3A_487 = arith.andi %get3A_481, %and3A_486 : vector<16xi32>
      %jit3A_488 = arith.constant 8 : i32
      %div3A_489 = arith.divsi %scan3A_477, %jit3A_488 : i32
      %sign3A_490 = arith.constant 0 : i32
      %sign3A_491 = arith.cmpi sgt, %scan3A_477, %sign3A_490 : i32
      %sign3A_492 = arith.extui %sign3A_491 : i1 to i32
      %sign3A_493 = arith.constant 0 : i32
      %sign3A_494 = arith.cmpi slt, %scan3A_477, %sign3A_493 : i32
      %sign3A_495 = arith.extui %sign3A_494 : i1 to i32
      %sign3A_496 = arith.subi %sign3A_492, %sign3A_495 : i32
      %sign3A_497 = arith.constant 0 : i32
      %sign3A_498 = arith.cmpi sgt, %jit3A_488, %sign3A_497 : i32
      %sign3A_499 = arith.extui %sign3A_498 : i1 to i32
      %sign3A_500 = arith.constant 0 : i32
      %sign3A_501 = arith.cmpi slt, %jit3A_488, %sign3A_500 : i32
      %sign3A_502 = arith.extui %sign3A_501 : i1 to i32
      %sign3A_503 = arith.subi %sign3A_499, %sign3A_502 : i32
      %ne3A_504 = arith.cmpi ne, %sign3A_496, %sign3A_503 : i32
      %rem3A_505 = arith.remsi %scan3A_477, %jit3A_488 : i32
      %ne3A_506 = arith.constant 0 : i32
      %ne3A_507 = arith.cmpi ne, %rem3A_505, %ne3A_506 : i32
      %and3A_508 = arith.andi %ne3A_504, %ne3A_507 : i1
      %sub3A_509 = arith.constant 1 : i32
      %sub3A_510 = arith.subi %div3A_489, %sub3A_509 : i32
      %select_n3A_511 = arith.select %and3A_508, %sub3A_510, %div3A_489 : i32
      %jit3A_512 = arith.constant 8 : i32
      %eq3A_513 = arith.constant 0 : i32
      %eq3A_514 = arith.cmpi eq, %jit3A_512, %eq3A_513 : i32
      %jit3A_515 = arith.constant 1 : i32
      %select_n3A_516 = arith.select %eq3A_514, %jit3A_515, %jit3A_512 : i32
      %rem3A_517 = arith.remsi %scan3A_477, %select_n3A_516 : i32
      %ne3A_518 = arith.constant 0 : i32
      %ne3A_519 = arith.cmpi ne, %rem3A_517, %ne3A_518 : i32
      %lt3A_520 = arith.constant 0 : i32
      %lt3A_521 = arith.cmpi slt, %rem3A_517, %lt3A_520 : i32
      %lt3A_522 = arith.constant 0 : i32
      %lt3A_523 = arith.cmpi slt, %select_n3A_516, %lt3A_522 : i32
      %ne3A_524 = arith.xori %lt3A_521, %lt3A_523 : i1
      %and3A_525 = arith.andi %ne3A_524, %ne3A_519 : i1
      %add3A_526 = arith.addi %rem3A_517, %select_n3A_516 : i32
      %select_n3A_527 = arith.select %and3A_525, %add3A_526, %rem3A_517 : i32
      %mul3A_528 = arith.constant 16 : i32
      %mul3A_529 = arith.muli %select_n3A_527, %mul3A_528 : i32
      %add3A_530 = arith.constant 0 : i32
      %add3A_531 = vector.broadcast %add3A_530 : i32 to vector<16xi32>
      %add3A_532 = arith.addi %shift_right_logical3A_484, %add3A_531 : vector<16xi32>
      %gather3A_533 = tpu.vector_load_idx %arg6[%add3A_532, %and3A_487] : memref<384x128xf32, #tpu.memory_space<vmem>>[vector<16xi32>, vector<16xi32>], vector<16xf32>,
      %add3A_534 = arith.constant 0 : i32
      %add3A_535 = arith.addi %add3A_534, %select_n3A_511 : i32
      %swap3A_536 = arith.index_cast %add3A_535 : i32 to index
      %swap3A_537 = arith.index_cast %mul3A_529 : i32 to index
      %swap3A_538 = tpu.vector_load %arg7[%swap3A_536, %swap3A_537] {strides = array<i32>} : memref<96x128xf32, #tpu.memory_space<vmem>>, vector<16xf32>,
      tpu.vector_store %arg7[%swap3A_536, %swap3A_537], %gather3A_533 {strides = array<i32>} : memref<96x128xf32, #tpu.memory_space<vmem>>, vector<16xf32>,
      %add3A_539 = arith.constant 128 : i32
      %add3A_540 = vector.broadcast %add3A_539 : i32 to vector<16xi32>
      %add3A_541 = arith.addi %shift_right_logical3A_484, %add3A_540 : vector<16xi32>
      %gather3A_542 = tpu.vector_load_idx %arg6[%add3A_541, %and3A_487] : memref<384x128xf32, #tpu.memory_space<vmem>>[vector<16xi32>, vector<16xi32>], vector<16xf32>,
      %add3A_543 = arith.constant 32 : i32
      %add3A_544 = arith.addi %add3A_543, %select_n3A_511 : i32
      %swap3A_545 = arith.index_cast %add3A_544 : i32 to index
      %swap3A_546 = arith.index_cast %mul3A_529 : i32 to index
      %swap3A_547 = tpu.vector_load %arg7[%swap3A_545, %swap3A_546] {strides = array<i32>} : memref<96x128xf32, #tpu.memory_space<vmem>>, vector<16xf32>,
      tpu.vector_store %arg7[%swap3A_545, %swap3A_546], %gather3A_542 {strides = array<i32>} : memref<96x128xf32, #tpu.memory_space<vmem>>, vector<16xf32>,
      %add3A_548 = arith.constant 256 : i32
      %add3A_549 = vector.broadcast %add3A_548 : i32 to vector<16xi32>
      %add3A_550 = arith.addi %shift_right_logical3A_484, %add3A_549 : vector<16xi32>
      %gather3A_551 = tpu.vector_load_idx %arg6[%add3A_550, %and3A_487] : memref<384x128xf32, #tpu.memory_space<vmem>>[vector<16xi32>, vector<16xi32>], vector<16xf32>,
      %add3A_552 = arith.constant 64 : i32
      %add3A_553 = arith.addi %add3A_552, %select_n3A_511 : i32
      %swap3A_554 = arith.index_cast %add3A_553 : i32 to index
      %swap3A_555 = arith.index_cast %mul3A_529 : i32 to index
      %swap3A_556 = tpu.vector_load %arg7[%swap3A_554, %swap3A_555] {strides = array<i32>} : memref<96x128xf32, #tpu.memory_space<vmem>>, vector<16xf32>,
      tpu.vector_store %arg7[%swap3A_554, %swap3A_555], %gather3A_551 {strides = array<i32>} : memref<96x128xf32, #tpu.memory_space<vmem>>, vector<16xf32>,
      %scan3A_557 = arith.constant 2 : i32
      %scan3A_558 = arith.addi %scan3A_400, %scan3A_557 : i32
      %mul3A_559 = arith.constant 16 : i32
      %mul3A_560 = arith.muli %scan3A_558, %mul3A_559 : i32
      %get3A_561 = arith.index_cast %mul3A_560 : i32 to index
      %get3A_562 = tpu.vector_load %arg5[%get3A_561] {strides = array<i32>} : memref<4096xi32, #tpu.memory_space<vmem>>, vector<16xi32>,
      %shift_right_logical3A_563 = arith.constant 7 : i32
      %shift_right_logical3A_564 = vector.broadcast %shift_right_logical3A_563 : i32 to vector<16xi32>
      %shift_right_logical3A_565 = arith.shrui %get3A_562, %shift_right_logical3A_564 : vector<16xi32>
      %and3A_566 = arith.constant 127 : i32
      %and3A_567 = vector.broadcast %and3A_566 : i32 to vector<16xi32>
      %and3A_568 = arith.andi %get3A_562, %and3A_567 : vector<16xi32>
      %jit3A_569 = arith.constant 8 : i32
      %div3A_570 = arith.divsi %scan3A_558, %jit3A_569 : i32
      %sign3A_571 = arith.constant 0 : i32
      %sign3A_572 = arith.cmpi sgt, %scan3A_558, %sign3A_571 : i32
      %sign3A_573 = arith.extui %sign3A_572 : i1 to i32
      %sign3A_574 = arith.constant 0 : i32
      %sign3A_575 = arith.cmpi slt, %scan3A_558, %sign3A_574 : i32
      %sign3A_576 = arith.extui %sign3A_575 : i1 to i32
      %sign3A_577 = arith.subi %sign3A_573, %sign3A_576 : i32
      %sign3A_578 = arith.constant 0 : i32
      %sign3A_579 = arith.cmpi sgt, %jit3A_569, %sign3A_578 : i32
      %sign3A_580 = arith.extui %sign3A_579 : i1 to i32
      %sign3A_581 = arith.constant 0 : i32
      %sign3A_582 = arith.cmpi slt, %jit3A_569, %sign3A_581 : i32
      %sign3A_583 = arith.extui %sign3A_582 : i1 to i32
      %sign3A_584 = arith.subi %sign3A_580, %sign3A_583 : i32
      %ne3A_585 = arith.cmpi ne, %sign3A_577, %sign3A_584 : i32
      %rem3A_586 = arith.remsi %scan3A_558, %jit3A_569 : i32
      %ne3A_587 = arith.constant 0 : i32
      %ne3A_588 = arith.cmpi ne, %rem3A_586, %ne3A_587 : i32
      %and3A_589 = arith.andi %ne3A_585, %ne3A_588 : i1
      %sub3A_590 = arith.constant 1 : i32
      %sub3A_591 = arith.subi %div3A_570, %sub3A_590 : i32
      %select_n3A_592 = arith.select %and3A_589, %sub3A_591, %div3A_570 : i32
      %jit3A_593 = arith.constant 8 : i32
      %eq3A_594 = arith.constant 0 : i32
      %eq3A_595 = arith.cmpi eq, %jit3A_593, %eq3A_594 : i32
      %jit3A_596 = arith.constant 1 : i32
      %select_n3A_597 = arith.select %eq3A_595, %jit3A_596, %jit3A_593 : i32
      %rem3A_598 = arith.remsi %scan3A_558, %select_n3A_597 : i32
      %ne3A_599 = arith.constant 0 : i32
      %ne3A_600 = arith.cmpi ne, %rem3A_598, %ne3A_599 : i32
      %lt3A_601 = arith.constant 0 : i32
      %lt3A_602 = arith.cmpi slt, %rem3A_598, %lt3A_601 : i32
      %lt3A_603 = arith.constant 0 : i32
      %lt3A_604 = arith.cmpi slt, %select_n3A_597, %lt3A_603 : i32
      %ne3A_605 = arith.xori %lt3A_602, %lt3A_604 : i1
      %and3A_606 = arith.andi %ne3A_605, %ne3A_600 : i1
      %add3A_607 = arith.addi %rem3A_598, %select_n3A_597 : i32
      %select_n3A_608 = arith.select %and3A_606, %add3A_607, %rem3A_598 : i32
      %mul3A_609 = arith.constant 16 : i32
      %mul3A_610 = arith.muli %select_n3A_608, %mul3A_609 : i32
      %add3A_611 = arith.constant 0 : i32
      %add3A_612 = vector.broadcast %add3A_611 : i32 to vector<16xi32>
      %add3A_613 = arith.addi %shift_right_logical3A_565, %add3A_612 : vector<16xi32>
      %gather3A_614 = tpu.vector_load_idx %arg6[%add3A_613, %and3A_568] : memref<384x128xf32, #tpu.memory_space<vmem>>[vector<16xi32>, vector<16xi32>], vector<16xf32>,
      %add3A_615 = arith.constant 0 : i32
      %add3A_616 = arith.addi %add3A_615, %select_n3A_592 : i32
      %swap3A_617 = arith.index_cast %add3A_616 : i32 to index
      %swap3A_618 = arith.index_cast %mul3A_610 : i32 to index
      %swap3A_619 = tpu.vector_load %arg7[%swap3A_617, %swap3A_618] {strides = array<i32>} : memref<96x128xf32, #tpu.memory_space<vmem>>, vector<16xf32>,
      tpu.vector_store %arg7[%swap3A_617, %swap3A_618], %gather3A_614 {strides = array<i32>} : memref<96x128xf32, #tpu.memory_space<vmem>>, vector<16xf32>,
      %add3A_620 = arith.constant 128 : i32
      %add3A_621 = vector.broadcast %add3A_620 : i32 to vector<16xi32>
      %add3A_622 = arith.addi %shift_right_logical3A_565, %add3A_621 : vector<16xi32>
      %gather3A_623 = tpu.vector_load_idx %arg6[%add3A_622, %and3A_568] : memref<384x128xf32, #tpu.memory_space<vmem>>[vector<16xi32>, vector<16xi32>], vector<16xf32>,
      %add3A_624 = arith.constant 32 : i32
      %add3A_625 = arith.addi %add3A_624, %select_n3A_592 : i32
      %swap3A_626 = arith.index_cast %add3A_625 : i32 to index
      %swap3A_627 = arith.index_cast %mul3A_610 : i32 to index
      %swap3A_628 = tpu.vector_load %arg7[%swap3A_626, %swap3A_627] {strides = array<i32>} : memref<96x128xf32, #tpu.memory_space<vmem>>, vector<16xf32>,
      tpu.vector_store %arg7[%swap3A_626, %swap3A_627], %gather3A_623 {strides = array<i32>} : memref<96x128xf32, #tpu.memory_space<vmem>>, vector<16xf32>,
      %add3A_629 = arith.constant 256 : i32
      %add3A_630 = vector.broadcast %add3A_629 : i32 to vector<16xi32>
      %add3A_631 = arith.addi %shift_right_logical3A_565, %add3A_630 : vector<16xi32>
      %gather3A_632 = tpu.vector_load_idx %arg6[%add3A_631, %and3A_568] : memref<384x128xf32, #tpu.memory_space<vmem>>[vector<16xi32>, vector<16xi32>], vector<16xf32>,
      %add3A_633 = arith.constant 64 : i32
      %add3A_634 = arith.addi %add3A_633, %select_n3A_592 : i32
      %swap3A_635 = arith.index_cast %add3A_634 : i32 to index
      %swap3A_636 = arith.index_cast %mul3A_610 : i32 to index
      %swap3A_637 = tpu.vector_load %arg7[%swap3A_635, %swap3A_636] {strides = array<i32>} : memref<96x128xf32, #tpu.memory_space<vmem>>, vector<16xf32>,
      tpu.vector_store %arg7[%swap3A_635, %swap3A_636], %gather3A_632 {strides = array<i32>} : memref<96x128xf32, #tpu.memory_space<vmem>>, vector<16xf32>,
      %scan3A_638 = arith.constant 3 : i32
      %scan3A_639 = arith.addi %scan3A_400, %scan3A_638 : i32
      %mul3A_640 = arith.constant 16 : i32
      %mul3A_641 = arith.muli %scan3A_639, %mul3A_640 : i32
      %get3A_642 = arith.index_cast %mul3A_641 : i32 to index
      %get3A_643 = tpu.vector_load %arg5[%get3A_642] {strides = array<i32>} : memref<4096xi32, #tpu.memory_space<vmem>>, vector<16xi32>,
      %shift_right_logical3A_644 = arith.constant 7 : i32
      %shift_right_logical3A_645 = vector.broadcast %shift_right_logical3A_644 : i32 to vector<16xi32>
      %shift_right_logical3A_646 = arith.shrui %get3A_643, %shift_right_logical3A_645 : vector<16xi32>
      %and3A_647 = arith.constant 127 : i32
      %and3A_648 = vector.broadcast %and3A_647 : i32 to vector<16xi32>
      %and3A_649 = arith.andi %get3A_643, %and3A_648 : vector<16xi32>
      %jit3A_650 = arith.constant 8 : i32
      %div3A_651 = arith.divsi %scan3A_639, %jit3A_650 : i32
      %sign3A_652 = arith.constant 0 : i32
      %sign3A_653 = arith.cmpi sgt, %scan3A_639, %sign3A_652 : i32
      %sign3A_654 = arith.extui %sign3A_653 : i1 to i32
      %sign3A_655 = arith.constant 0 : i32
      %sign3A_656 = arith.cmpi slt, %scan3A_639, %sign3A_655 : i32
      %sign3A_657 = arith.extui %sign3A_656 : i1 to i32
      %sign3A_658 = arith.subi %sign3A_654, %sign3A_657 : i32
      %sign3A_659 = arith.constant 0 : i32
      %sign3A_660 = arith.cmpi sgt, %jit3A_650, %sign3A_659 : i32
      %sign3A_661 = arith.extui %sign3A_660 : i1 to i32
      %sign3A_662 = arith.constant 0 : i32
      %sign3A_663 = arith.cmpi slt, %jit3A_650, %sign3A_662 : i32
      %sign3A_664 = arith.extui %sign3A_663 : i1 to i32
      %sign3A_665 = arith.subi %sign3A_661, %sign3A_664 : i32
      %ne3A_666 = arith.cmpi ne, %sign3A_658, %sign3A_665 : i32
      %rem3A_667 = arith.remsi %scan3A_639, %jit3A_650 : i32
      %ne3A_668 = arith.constant 0 : i32
      %ne3A_669 = arith.cmpi ne, %rem3A_667, %ne3A_668 : i32
      %and3A_670 = arith.andi %ne3A_666, %ne3A_669 : i1
      %sub3A_671 = arith.constant 1 : i32
      %sub3A_672 = arith.subi %div3A_651, %sub3A_671 : i32
      %select_n3A_673 = arith.select %and3A_670, %sub3A_672, %div3A_651 : i32
      %jit3A_674 = arith.constant 8 : i32
      %eq3A_675 = arith.constant 0 : i32
      %eq3A_676 = arith.cmpi eq, %jit3A_674, %eq3A_675 : i32
      %jit3A_677 = arith.constant 1 : i32
      %select_n3A_678 = arith.select %eq3A_676, %jit3A_677, %jit3A_674 : i32
      %rem3A_679 = arith.remsi %scan3A_639, %select_n3A_678 : i32
      %ne3A_680 = arith.constant 0 : i32
      %ne3A_681 = arith.cmpi ne, %rem3A_679, %ne3A_680 : i32
      %lt3A_682 = arith.constant 0 : i32
      %lt3A_683 = arith.cmpi slt, %rem3A_679, %lt3A_682 : i32
      %lt3A_684 = arith.constant 0 : i32
      %lt3A_685 = arith.cmpi slt, %select_n3A_678, %lt3A_684 : i32
      %ne3A_686 = arith.xori %lt3A_683, %lt3A_685 : i1
      %and3A_687 = arith.andi %ne3A_686, %ne3A_681 : i1
      %add3A_688 = arith.addi %rem3A_679, %select_n3A_678 : i32
      %select_n3A_689 = arith.select %and3A_687, %add3A_688, %rem3A_679 : i32
      %mul3A_690 = arith.constant 16 : i32
      %mul3A_691 = arith.muli %select_n3A_689, %mul3A_690 : i32
      %add3A_692 = arith.constant 0 : i32
      %add3A_693 = vector.broadcast %add3A_692 : i32 to vector<16xi32>
      %add3A_694 = arith.addi %shift_right_logical3A_646, %add3A_693 : vector<16xi32>
      %gather3A_695 = tpu.vector_load_idx %arg6[%add3A_694, %and3A_649] : memref<384x128xf32, #tpu.memory_space<vmem>>[vector<16xi32>, vector<16xi32>], vector<16xf32>,
      %add3A_696 = arith.constant 0 : i32
      %add3A_697 = arith.addi %add3A_696, %select_n3A_673 : i32
      %swap3A_698 = arith.index_cast %add3A_697 : i32 to index
      %swap3A_699 = arith.index_cast %mul3A_691 : i32 to index
      %swap3A_700 = tpu.vector_load %arg7[%swap3A_698, %swap3A_699] {strides = array<i32>} : memref<96x128xf32, #tpu.memory_space<vmem>>, vector<16xf32>,
      tpu.vector_store %arg7[%swap3A_698, %swap3A_699], %gather3A_695 {strides = array<i32>} : memref<96x128xf32, #tpu.memory_space<vmem>>, vector<16xf32>,
      %add3A_701 = arith.constant 128 : i32
      %add3A_702 = vector.broadcast %add3A_701 : i32 to vector<16xi32>
      %add3A_703 = arith.addi %shift_right_logical3A_646, %add3A_702 : vector<16xi32>
      %gather3A_704 = tpu.vector_load_idx %arg6[%add3A_703, %and3A_649] : memref<384x128xf32, #tpu.memory_space<vmem>>[vector<16xi32>, vector<16xi32>], vector<16xf32>,
      %add3A_705 = arith.constant 32 : i32
      %add3A_706 = arith.addi %add3A_705, %select_n3A_673 : i32
      %swap3A_707 = arith.index_cast %add3A_706 : i32 to index
      %swap3A_708 = arith.index_cast %mul3A_691 : i32 to index
      %swap3A_709 = tpu.vector_load %arg7[%swap3A_707, %swap3A_708] {strides = array<i32>} : memref<96x128xf32, #tpu.memory_space<vmem>>, vector<16xf32>,
      tpu.vector_store %arg7[%swap3A_707, %swap3A_708], %gather3A_704 {strides = array<i32>} : memref<96x128xf32, #tpu.memory_space<vmem>>, vector<16xf32>,
      %add3A_710 = arith.constant 256 : i32
      %add3A_711 = vector.broadcast %add3A_710 : i32 to vector<16xi32>
      %add3A_712 = arith.addi %shift_right_logical3A_646, %add3A_711 : vector<16xi32>
      %gather3A_713 = tpu.vector_load_idx %arg6[%add3A_712, %and3A_649] : memref<384x128xf32, #tpu.memory_space<vmem>>[vector<16xi32>, vector<16xi32>], vector<16xf32>,
      %add3A_714 = arith.constant 64 : i32
      %add3A_715 = arith.addi %add3A_714, %select_n3A_673 : i32
      %swap3A_716 = arith.index_cast %add3A_715 : i32 to index
      %swap3A_717 = arith.index_cast %mul3A_691 : i32 to index
      %swap3A_718 = tpu.vector_load %arg7[%swap3A_716, %swap3A_717] {strides = array<i32>} : memref<96x128xf32, #tpu.memory_space<vmem>>, vector<16xf32>,
      tpu.vector_store %arg7[%swap3A_716, %swap3A_717], %gather3A_713 {strides = array<i32>} : memref<96x128xf32, #tpu.memory_space<vmem>>, vector<16xf32>,
      %scan3A_719 = arith.constant 4 : i32
      %scan3A_720 = arith.addi %scan3A_400, %scan3A_719 : i32
      %mul3A_721 = arith.constant 16 : i32
      %mul3A_722 = arith.muli %scan3A_720, %mul3A_721 : i32
      %get3A_723 = arith.index_cast %mul3A_722 : i32 to index
      %get3A_724 = tpu.vector_load %arg5[%get3A_723] {strides = array<i32>} : memref<4096xi32, #tpu.memory_space<vmem>>, vector<16xi32>,
      %shift_right_logical3A_725 = arith.constant 7 : i32
      %shift_right_logical3A_726 = vector.broadcast %shift_right_logical3A_725 : i32 to vector<16xi32>
      %shift_right_logical3A_727 = arith.shrui %get3A_724, %shift_right_logical3A_726 : vector<16xi32>
      %and3A_728 = arith.constant 127 : i32
      %and3A_729 = vector.broadcast %and3A_728 : i32 to vector<16xi32>
      %and3A_730 = arith.andi %get3A_724, %and3A_729 : vector<16xi32>
      %jit3A_731 = arith.constant 8 : i32
      %div3A_732 = arith.divsi %scan3A_720, %jit3A_731 : i32
      %sign3A_733 = arith.constant 0 : i32
      %sign3A_734 = arith.cmpi sgt, %scan3A_720, %sign3A_733 : i32
      %sign3A_735 = arith.extui %sign3A_734 : i1 to i32
      %sign3A_736 = arith.constant 0 : i32
      %sign3A_737 = arith.cmpi slt, %scan3A_720, %sign3A_736 : i32
      %sign3A_738 = arith.extui %sign3A_737 : i1 to i32
      %sign3A_739 = arith.subi %sign3A_735, %sign3A_738 : i32
      %sign3A_740 = arith.constant 0 : i32
      %sign3A_741 = arith.cmpi sgt, %jit3A_731, %sign3A_740 : i32
      %sign3A_742 = arith.extui %sign3A_741 : i1 to i32
      %sign3A_743 = arith.constant 0 : i32
      %sign3A_744 = arith.cmpi slt, %jit3A_731, %sign3A_743 : i32
      %sign3A_745 = arith.extui %sign3A_744 : i1 to i32
      %sign3A_746 = arith.subi %sign3A_742, %sign3A_745 : i32
      %ne3A_747 = arith.cmpi ne, %sign3A_739, %sign3A_746 : i32
      %rem3A_748 = arith.remsi %scan3A_720, %jit3A_731 : i32
      %ne3A_749 = arith.constant 0 : i32
      %ne3A_750 = arith.cmpi ne, %rem3A_748, %ne3A_749 : i32
      %and3A_751 = arith.andi %ne3A_747, %ne3A_750 : i1
      %sub3A_752 = arith.constant 1 : i32
      %sub3A_753 = arith.subi %div3A_732, %sub3A_752 : i32
      %select_n3A_754 = arith.select %and3A_751, %sub3A_753, %div3A_732 : i32
      %jit3A_755 = arith.constant 8 : i32
      %eq3A_756 = arith.constant 0 : i32
      %eq3A_757 = arith.cmpi eq, %jit3A_755, %eq3A_756 : i32
      %jit3A_758 = arith.constant 1 : i32
      %select_n3A_759 = arith.select %eq3A_757, %jit3A_758, %jit3A_755 : i32
      %rem3A_760 = arith.remsi %scan3A_720, %select_n3A_759 : i32
      %ne3A_761 = arith.constant 0 : i32
      %ne3A_762 = arith.cmpi ne, %rem3A_760, %ne3A_761 : i32
      %lt3A_763 = arith.constant 0 : i32
      %lt3A_764 = arith.cmpi slt, %rem3A_760, %lt3A_763 : i32
      %lt3A_765 = arith.constant 0 : i32
      %lt3A_766 = arith.cmpi slt, %select_n3A_759, %lt3A_765 : i32
      %ne3A_767 = arith.xori %lt3A_764, %lt3A_766 : i1
      %and3A_768 = arith.andi %ne3A_767, %ne3A_762 : i1
      %add3A_769 = arith.addi %rem3A_760, %select_n3A_759 : i32
      %select_n3A_770 = arith.select %and3A_768, %add3A_769, %rem3A_760 : i32
      %mul3A_771 = arith.constant 16 : i32
      %mul3A_772 = arith.muli %select_n3A_770, %mul3A_771 : i32
      %add3A_773 = arith.constant 0 : i32
      %add3A_774 = vector.broadcast %add3A_773 : i32 to vector<16xi32>
      %add3A_775 = arith.addi %shift_right_logical3A_727, %add3A_774 : vector<16xi32>
      %gather3A_776 = tpu.vector_load_idx %arg6[%add3A_775, %and3A_730] : memref<384x128xf32, #tpu.memory_space<vmem>>[vector<16xi32>, vector<16xi32>], vector<16xf32>,
      %add3A_777 = arith.constant 0 : i32
      %add3A_778 = arith.addi %add3A_777, %select_n3A_754 : i32
      %swap3A_779 = arith.index_cast %add3A_778 : i32 to index
      %swap3A_780 = arith.index_cast %mul3A_772 : i32 to index
      %swap3A_781 = tpu.vector_load %arg7[%swap3A_779, %swap3A_780] {strides = array<i32>} : memref<96x128xf32, #tpu.memory_space<vmem>>, vector<16xf32>,
      tpu.vector_store %arg7[%swap3A_779, %swap3A_780], %gather3A_776 {strides = array<i32>} : memref<96x128xf32, #tpu.memory_space<vmem>>, vector<16xf32>,
      %add3A_782 = arith.constant 128 : i32
      %add3A_783 = vector.broadcast %add3A_782 : i32 to vector<16xi32>
      %add3A_784 = arith.addi %shift_right_logical3A_727, %add3A_783 : vector<16xi32>
      %gather3A_785 = tpu.vector_load_idx %arg6[%add3A_784, %and3A_730] : memref<384x128xf32, #tpu.memory_space<vmem>>[vector<16xi32>, vector<16xi32>], vector<16xf32>,
      %add3A_786 = arith.constant 32 : i32
      %add3A_787 = arith.addi %add3A_786, %select_n3A_754 : i32
      %swap3A_788 = arith.index_cast %add3A_787 : i32 to index
      %swap3A_789 = arith.index_cast %mul3A_772 : i32 to index
      %swap3A_790 = tpu.vector_load %arg7[%swap3A_788, %swap3A_789] {strides = array<i32>} : memref<96x128xf32, #tpu.memory_space<vmem>>, vector<16xf32>,
      tpu.vector_store %arg7[%swap3A_788, %swap3A_789], %gather3A_785 {strides = array<i32>} : memref<96x128xf32, #tpu.memory_space<vmem>>, vector<16xf32>,
      %add3A_791 = arith.constant 256 : i32
      %add3A_792 = vector.broadcast %add3A_791 : i32 to vector<16xi32>
      %add3A_793 = arith.addi %shift_right_logical3A_727, %add3A_792 : vector<16xi32>
      %gather3A_794 = tpu.vector_load_idx %arg6[%add3A_793, %and3A_730] : memref<384x128xf32, #tpu.memory_space<vmem>>[vector<16xi32>, vector<16xi32>], vector<16xf32>,
      %add3A_795 = arith.constant 64 : i32
      %add3A_796 = arith.addi %add3A_795, %select_n3A_754 : i32
      %swap3A_797 = arith.index_cast %add3A_796 : i32 to index
      %swap3A_798 = arith.index_cast %mul3A_772 : i32 to index
      %swap3A_799 = tpu.vector_load %arg7[%swap3A_797, %swap3A_798] {strides = array<i32>} : memref<96x128xf32, #tpu.memory_space<vmem>>, vector<16xf32>,
      tpu.vector_store %arg7[%swap3A_797, %swap3A_798], %gather3A_794 {strides = array<i32>} : memref<96x128xf32, #tpu.memory_space<vmem>>, vector<16xf32>,
      %scan3A_800 = arith.constant 5 : i32
      %scan3A_801 = arith.addi %scan3A_400, %scan3A_800 : i32
      %mul3A_802 = arith.constant 16 : i32
      %mul3A_803 = arith.muli %scan3A_801, %mul3A_802 : i32
      %get3A_804 = arith.index_cast %mul3A_803 : i32 to index
      %get3A_805 = tpu.vector_load %arg5[%get3A_804] {strides = array<i32>} : memref<4096xi32, #tpu.memory_space<vmem>>, vector<16xi32>,
      %shift_right_logical3A_806 = arith.constant 7 : i32
      %shift_right_logical3A_807 = vector.broadcast %shift_right_logical3A_806 : i32 to vector<16xi32>
      %shift_right_logical3A_808 = arith.shrui %get3A_805, %shift_right_logical3A_807 : vector<16xi32>
      %and3A_809 = arith.constant 127 : i32
      %and3A_810 = vector.broadcast %and3A_809 : i32 to vector<16xi32>
      %and3A_811 = arith.andi %get3A_805, %and3A_810 : vector<16xi32>
      %jit3A_812 = arith.constant 8 : i32
      %div3A_813 = arith.divsi %scan3A_801, %jit3A_812 : i32
      %sign3A_814 = arith.constant 0 : i32
      %sign3A_815 = arith.cmpi sgt, %scan3A_801, %sign3A_814 : i32
      %sign3A_816 = arith.extui %sign3A_815 : i1 to i32
      %sign3A_817 = arith.constant 0 : i32
      %sign3A_818 = arith.cmpi slt, %scan3A_801, %sign3A_817 : i32
      %sign3A_819 = arith.extui %sign3A_818 : i1 to i32
      %sign3A_820 = arith.subi %sign3A_816, %sign3A_819 : i32
      %sign3A_821 = arith.constant 0 : i32
      %sign3A_822 = arith.cmpi sgt, %jit3A_812, %sign3A_821 : i32
      %sign3A_823 = arith.extui %sign3A_822 : i1 to i32
      %sign3A_824 = arith.constant 0 : i32
      %sign3A_825 = arith.cmpi slt, %jit3A_812, %sign3A_824 : i32
      %sign3A_826 = arith.extui %sign3A_825 : i1 to i32
      %sign3A_827 = arith.subi %sign3A_823, %sign3A_826 : i32
      %ne3A_828 = arith.cmpi ne, %sign3A_820, %sign3A_827 : i32
      %rem3A_829 = arith.remsi %scan3A_801, %jit3A_812 : i32
      %ne3A_830 = arith.constant 0 : i32
      %ne3A_831 = arith.cmpi ne, %rem3A_829, %ne3A_830 : i32
      %and3A_832 = arith.andi %ne3A_828, %ne3A_831 : i1
      %sub3A_833 = arith.constant 1 : i32
      %sub3A_834 = arith.subi %div3A_813, %sub3A_833 : i32
      %select_n3A_835 = arith.select %and3A_832, %sub3A_834, %div3A_813 : i32
      %jit3A_836 = arith.constant 8 : i32
      %eq3A_837 = arith.constant 0 : i32
      %eq3A_838 = arith.cmpi eq, %jit3A_836, %eq3A_837 : i32
      %jit3A_839 = arith.constant 1 : i32
      %select_n3A_840 = arith.select %eq3A_838, %jit3A_839, %jit3A_836 : i32
      %rem3A_841 = arith.remsi %scan3A_801, %select_n3A_840 : i32
      %ne3A_842 = arith.constant 0 : i32
      %ne3A_843 = arith.cmpi ne, %rem3A_841, %ne3A_842 : i32
      %lt3A_844 = arith.constant 0 : i32
      %lt3A_845 = arith.cmpi slt, %rem3A_841, %lt3A_844 : i32
      %lt3A_846 = arith.constant 0 : i32
      %lt3A_847 = arith.cmpi slt, %select_n3A_840, %lt3A_846 : i32
      %ne3A_848 = arith.xori %lt3A_845, %lt3A_847 : i1
      %and3A_849 = arith.andi %ne3A_848, %ne3A_843 : i1
      %add3A_850 = arith.addi %rem3A_841, %select_n3A_840 : i32
      %select_n3A_851 = arith.select %and3A_849, %add3A_850, %rem3A_841 : i32
      %mul3A_852 = arith.constant 16 : i32
      %mul3A_853 = arith.muli %select_n3A_851, %mul3A_852 : i32
      %add3A_854 = arith.constant 0 : i32
      %add3A_855 = vector.broadcast %add3A_854 : i32 to vector<16xi32>
      %add3A_856 = arith.addi %shift_right_logical3A_808, %add3A_855 : vector<16xi32>
      %gather3A_857 = tpu.vector_load_idx %arg6[%add3A_856, %and3A_811] : memref<384x128xf32, #tpu.memory_space<vmem>>[vector<16xi32>, vector<16xi32>], vector<16xf32>,
      %add3A_858 = arith.constant 0 : i32
      %add3A_859 = arith.addi %add3A_858, %select_n3A_835 : i32
      %swap3A_860 = arith.index_cast %add3A_859 : i32 to index
      %swap3A_861 = arith.index_cast %mul3A_853 : i32 to index
      %swap3A_862 = tpu.vector_load %arg7[%swap3A_860, %swap3A_861] {strides = array<i32>} : memref<96x128xf32, #tpu.memory_space<vmem>>, vector<16xf32>,
      tpu.vector_store %arg7[%swap3A_860, %swap3A_861], %gather3A_857 {strides = array<i32>} : memref<96x128xf32, #tpu.memory_space<vmem>>, vector<16xf32>,
      %add3A_863 = arith.constant 128 : i32
      %add3A_864 = vector.broadcast %add3A_863 : i32 to vector<16xi32>
      %add3A_865 = arith.addi %shift_right_logical3A_808, %add3A_864 : vector<16xi32>
      %gather3A_866 = tpu.vector_load_idx %arg6[%add3A_865, %and3A_811] : memref<384x128xf32, #tpu.memory_space<vmem>>[vector<16xi32>, vector<16xi32>], vector<16xf32>,
      %add3A_867 = arith.constant 32 : i32
      %add3A_868 = arith.addi %add3A_867, %select_n3A_835 : i32
      %swap3A_869 = arith.index_cast %add3A_868 : i32 to index
      %swap3A_870 = arith.index_cast %mul3A_853 : i32 to index
      %swap3A_871 = tpu.vector_load %arg7[%swap3A_869, %swap3A_870] {strides = array<i32>} : memref<96x128xf32, #tpu.memory_space<vmem>>, vector<16xf32>,
      tpu.vector_store %arg7[%swap3A_869, %swap3A_870], %gather3A_866 {strides = array<i32>} : memref<96x128xf32, #tpu.memory_space<vmem>>, vector<16xf32>,
      %add3A_872 = arith.constant 256 : i32
      %add3A_873 = vector.broadcast %add3A_872 : i32 to vector<16xi32>
      %add3A_874 = arith.addi %shift_right_logical3A_808, %add3A_873 : vector<16xi32>
      %gather3A_875 = tpu.vector_load_idx %arg6[%add3A_874, %and3A_811] : memref<384x128xf32, #tpu.memory_space<vmem>>[vector<16xi32>, vector<16xi32>], vector<16xf32>,
      %add3A_876 = arith.constant 64 : i32
      %add3A_877 = arith.addi %add3A_876, %select_n3A_835 : i32
      %swap3A_878 = arith.index_cast %add3A_877 : i32 to index
      %swap3A_879 = arith.index_cast %mul3A_853 : i32 to index
      %swap3A_880 = tpu.vector_load %arg7[%swap3A_878, %swap3A_879] {strides = array<i32>} : memref<96x128xf32, #tpu.memory_space<vmem>>, vector<16xf32>,
      tpu.vector_store %arg7[%swap3A_878, %swap3A_879], %gather3A_875 {strides = array<i32>} : memref<96x128xf32, #tpu.memory_space<vmem>>, vector<16xf32>,
      %scan3A_881 = arith.constant 6 : i32
      %scan3A_882 = arith.addi %scan3A_400, %scan3A_881 : i32
      %mul3A_883 = arith.constant 16 : i32
      %mul3A_884 = arith.muli %scan3A_882, %mul3A_883 : i32
      %get3A_885 = arith.index_cast %mul3A_884 : i32 to index
      %get3A_886 = tpu.vector_load %arg5[%get3A_885] {strides = array<i32>} : memref<4096xi32, #tpu.memory_space<vmem>>, vector<16xi32>,
      %shift_right_logical3A_887 = arith.constant 7 : i32
      %shift_right_logical3A_888 = vector.broadcast %shift_right_logical3A_887 : i32 to vector<16xi32>
      %shift_right_logical3A_889 = arith.shrui %get3A_886, %shift_right_logical3A_888 : vector<16xi32>
      %and3A_890 = arith.constant 127 : i32
      %and3A_891 = vector.broadcast %and3A_890 : i32 to vector<16xi32>
      %and3A_892 = arith.andi %get3A_886, %and3A_891 : vector<16xi32>
      %jit3A_893 = arith.constant 8 : i32
      %div3A_894 = arith.divsi %scan3A_882, %jit3A_893 : i32
      %sign3A_895 = arith.constant 0 : i32
      %sign3A_896 = arith.cmpi sgt, %scan3A_882, %sign3A_895 : i32
      %sign3A_897 = arith.extui %sign3A_896 : i1 to i32
      %sign3A_898 = arith.constant 0 : i32
      %sign3A_899 = arith.cmpi slt, %scan3A_882, %sign3A_898 : i32
      %sign3A_900 = arith.extui %sign3A_899 : i1 to i32
      %sign3A_901 = arith.subi %sign3A_897, %sign3A_900 : i32
      %sign3A_902 = arith.constant 0 : i32
      %sign3A_903 = arith.cmpi sgt, %jit3A_893, %sign3A_902 : i32
      %sign3A_904 = arith.extui %sign3A_903 : i1 to i32
      %sign3A_905 = arith.constant 0 : i32
      %sign3A_906 = arith.cmpi slt, %jit3A_893, %sign3A_905 : i32
      %sign3A_907 = arith.extui %sign3A_906 : i1 to i32
      %sign3A_908 = arith.subi %sign3A_904, %sign3A_907 : i32
      %ne3A_909 = arith.cmpi ne, %sign3A_901, %sign3A_908 : i32
      %rem3A_910 = arith.remsi %scan3A_882, %jit3A_893 : i32
      %ne3A_911 = arith.constant 0 : i32
      %ne3A_912 = arith.cmpi ne, %rem3A_910, %ne3A_911 : i32
      %and3A_913 = arith.andi %ne3A_909, %ne3A_912 : i1
      %sub3A_914 = arith.constant 1 : i32
      %sub3A_915 = arith.subi %div3A_894, %sub3A_914 : i32
      %select_n3A_916 = arith.select %and3A_913, %sub3A_915, %div3A_894 : i32
      %jit3A_917 = arith.constant 8 : i32
      %eq3A_918 = arith.constant 0 : i32
      %eq3A_919 = arith.cmpi eq, %jit3A_917, %eq3A_918 : i32
      %jit3A_920 = arith.constant 1 : i32
      %select_n3A_921 = arith.select %eq3A_919, %jit3A_920, %jit3A_917 : i32
      %rem3A_922 = arith.remsi %scan3A_882, %select_n3A_921 : i32
      %ne3A_923 = arith.constant 0 : i32
      %ne3A_924 = arith.cmpi ne, %rem3A_922, %ne3A_923 : i32
      %lt3A_925 = arith.constant 0 : i32
      %lt3A_926 = arith.cmpi slt, %rem3A_922, %lt3A_925 : i32
      %lt3A_927 = arith.constant 0 : i32
      %lt3A_928 = arith.cmpi slt, %select_n3A_921, %lt3A_927 : i32
      %ne3A_929 = arith.xori %lt3A_926, %lt3A_928 : i1
      %and3A_930 = arith.andi %ne3A_929, %ne3A_924 : i1
      %add3A_931 = arith.addi %rem3A_922, %select_n3A_921 : i32
      %select_n3A_932 = arith.select %and3A_930, %add3A_931, %rem3A_922 : i32
      %mul3A_933 = arith.constant 16 : i32
      %mul3A_934 = arith.muli %select_n3A_932, %mul3A_933 : i32
      %add3A_935 = arith.constant 0 : i32
      %add3A_936 = vector.broadcast %add3A_935 : i32 to vector<16xi32>
      %add3A_937 = arith.addi %shift_right_logical3A_889, %add3A_936 : vector<16xi32>
      %gather3A_938 = tpu.vector_load_idx %arg6[%add3A_937, %and3A_892] : memref<384x128xf32, #tpu.memory_space<vmem>>[vector<16xi32>, vector<16xi32>], vector<16xf32>,
      %add3A_939 = arith.constant 0 : i32
      %add3A_940 = arith.addi %add3A_939, %select_n3A_916 : i32
      %swap3A_941 = arith.index_cast %add3A_940 : i32 to index
      %swap3A_942 = arith.index_cast %mul3A_934 : i32 to index
      %swap3A_943 = tpu.vector_load %arg7[%swap3A_941, %swap3A_942] {strides = array<i32>} : memref<96x128xf32, #tpu.memory_space<vmem>>, vector<16xf32>,
      tpu.vector_store %arg7[%swap3A_941, %swap3A_942], %gather3A_938 {strides = array<i32>} : memref<96x128xf32, #tpu.memory_space<vmem>>, vector<16xf32>,
      %add3A_944 = arith.constant 128 : i32
      %add3A_945 = vector.broadcast %add3A_944 : i32 to vector<16xi32>
      %add3A_946 = arith.addi %shift_right_logical3A_889, %add3A_945 : vector<16xi32>
      %gather3A_947 = tpu.vector_load_idx %arg6[%add3A_946, %and3A_892] : memref<384x128xf32, #tpu.memory_space<vmem>>[vector<16xi32>, vector<16xi32>], vector<16xf32>,
      %add3A_948 = arith.constant 32 : i32
      %add3A_949 = arith.addi %add3A_948, %select_n3A_916 : i32
      %swap3A_950 = arith.index_cast %add3A_949 : i32 to index
      %swap3A_951 = arith.index_cast %mul3A_934 : i32 to index
      %swap3A_952 = tpu.vector_load %arg7[%swap3A_950, %swap3A_951] {strides = array<i32>} : memref<96x128xf32, #tpu.memory_space<vmem>>, vector<16xf32>,
      tpu.vector_store %arg7[%swap3A_950, %swap3A_951], %gather3A_947 {strides = array<i32>} : memref<96x128xf32, #tpu.memory_space<vmem>>, vector<16xf32>,
      %add3A_953 = arith.constant 256 : i32
      %add3A_954 = vector.broadcast %add3A_953 : i32 to vector<16xi32>
      %add3A_955 = arith.addi %shift_right_logical3A_889, %add3A_954 : vector<16xi32>
      %gather3A_956 = tpu.vector_load_idx %arg6[%add3A_955, %and3A_892] : memref<384x128xf32, #tpu.memory_space<vmem>>[vector<16xi32>, vector<16xi32>], vector<16xf32>,
      %add3A_957 = arith.constant 64 : i32
      %add3A_958 = arith.addi %add3A_957, %select_n3A_916 : i32
      %swap3A_959 = arith.index_cast %add3A_958 : i32 to index
      %swap3A_960 = arith.index_cast %mul3A_934 : i32 to index
      %swap3A_961 = tpu.vector_load %arg7[%swap3A_959, %swap3A_960] {strides = array<i32>} : memref<96x128xf32, #tpu.memory_space<vmem>>, vector<16xf32>,
      tpu.vector_store %arg7[%swap3A_959, %swap3A_960], %gather3A_956 {strides = array<i32>} : memref<96x128xf32, #tpu.memory_space<vmem>>, vector<16xf32>,
      %scan3A_962 = arith.constant 7 : i32
      %scan3A_963 = arith.addi %scan3A_400, %scan3A_962 : i32
      %mul3A_964 = arith.constant 16 : i32
      %mul3A_965 = arith.muli %scan3A_963, %mul3A_964 : i32
      %get3A_966 = arith.index_cast %mul3A_965 : i32 to index
      %get3A_967 = tpu.vector_load %arg5[%get3A_966] {strides = array<i32>} : memref<4096xi32, #tpu.memory_space<vmem>>, vector<16xi32>,
      %shift_right_logical3A_968 = arith.constant 7 : i32
      %shift_right_logical3A_969 = vector.broadcast %shift_right_logical3A_968 : i32 to vector<16xi32>
      %shift_right_logical3A_970 = arith.shrui %get3A_967, %shift_right_logical3A_969 : vector<16xi32>
      %and3A_971 = arith.constant 127 : i32
      %and3A_972 = vector.broadcast %and3A_971 : i32 to vector<16xi32>
      %and3A_973 = arith.andi %get3A_967, %and3A_972 : vector<16xi32>
      %jit3A_974 = arith.constant 8 : i32
      %div3A_975 = arith.divsi %scan3A_963, %jit3A_974 : i32
      %sign3A_976 = arith.constant 0 : i32
      %sign3A_977 = arith.cmpi sgt, %scan3A_963, %sign3A_976 : i32
      %sign3A_978 = arith.extui %sign3A_977 : i1 to i32
      %sign3A_979 = arith.constant 0 : i32
      %sign3A_980 = arith.cmpi slt, %scan3A_963, %sign3A_979 : i32
      %sign3A_981 = arith.extui %sign3A_980 : i1 to i32
      %sign3A_982 = arith.subi %sign3A_978, %sign3A_981 : i32
      %sign3A_983 = arith.constant 0 : i32
      %sign3A_984 = arith.cmpi sgt, %jit3A_974, %sign3A_983 : i32
      %sign3A_985 = arith.extui %sign3A_984 : i1 to i32
      %sign3A_986 = arith.constant 0 : i32
      %sign3A_987 = arith.cmpi slt, %jit3A_974, %sign3A_986 : i32
      %sign3A_988 = arith.extui %sign3A_987 : i1 to i32
      %sign3A_989 = arith.subi %sign3A_985, %sign3A_988 : i32
      %ne3A_990 = arith.cmpi ne, %sign3A_982, %sign3A_989 : i32
      %rem3A_991 = arith.remsi %scan3A_963, %jit3A_974 : i32
      %ne3A_992 = arith.constant 0 : i32
      %ne3A_993 = arith.cmpi ne, %rem3A_991, %ne3A_992 : i32
      %and3A_994 = arith.andi %ne3A_990, %ne3A_993 : i1
      %sub3A_995 = arith.constant 1 : i32
      %sub3A_996 = arith.subi %div3A_975, %sub3A_995 : i32
      %select_n3A_997 = arith.select %and3A_994, %sub3A_996, %div3A_975 : i32
      %jit3A_998 = arith.constant 8 : i32
      %eq3A_999 = arith.constant 0 : i32
      %eq3A_1000 = arith.cmpi eq, %jit3A_998, %eq3A_999 : i32
      %jit3A_1001 = arith.constant 1 : i32
      %select_n3A_1002 = arith.select %eq3A_1000, %jit3A_1001, %jit3A_998 : i32
      %rem3A_1003 = arith.remsi %scan3A_963, %select_n3A_1002 : i32
      %ne3A_1004 = arith.constant 0 : i32
      %ne3A_1005 = arith.cmpi ne, %rem3A_1003, %ne3A_1004 : i32
      %lt3A_1006 = arith.constant 0 : i32
      %lt3A_1007 = arith.cmpi slt, %rem3A_1003, %lt3A_1006 : i32
      %lt3A_1008 = arith.constant 0 : i32
      %lt3A_1009 = arith.cmpi slt, %select_n3A_1002, %lt3A_1008 : i32
      %ne3A_1010 = arith.xori %lt3A_1007, %lt3A_1009 : i1
      %and3A_1011 = arith.andi %ne3A_1010, %ne3A_1005 : i1
      %add3A_1012 = arith.addi %rem3A_1003, %select_n3A_1002 : i32
      %select_n3A_1013 = arith.select %and3A_1011, %add3A_1012, %rem3A_1003 : i32
      %mul3A_1014 = arith.constant 16 : i32
      %mul3A_1015 = arith.muli %select_n3A_1013, %mul3A_1014 : i32
      %add3A_1016 = arith.constant 0 : i32
      %add3A_1017 = vector.broadcast %add3A_1016 : i32 to vector<16xi32>
      %add3A_1018 = arith.addi %shift_right_logical3A_970, %add3A_1017 : vector<16xi32>
      %gather3A_1019 = tpu.vector_load_idx %arg6[%add3A_1018, %and3A_973] : memref<384x128xf32, #tpu.memory_space<vmem>>[vector<16xi32>, vector<16xi32>], vector<16xf32>,
      %add3A_1020 = arith.constant 0 : i32
      %add3A_1021 = arith.addi %add3A_1020, %select_n3A_997 : i32
      %swap3A_1022 = arith.index_cast %add3A_1021 : i32 to index
      %swap3A_1023 = arith.index_cast %mul3A_1015 : i32 to index
      %swap3A_1024 = tpu.vector_load %arg7[%swap3A_1022, %swap3A_1023] {strides = array<i32>} : memref<96x128xf32, #tpu.memory_space<vmem>>, vector<16xf32>,
      tpu.vector_store %arg7[%swap3A_1022, %swap3A_1023], %gather3A_1019 {strides = array<i32>} : memref<96x128xf32, #tpu.memory_space<vmem>>, vector<16xf32>,
      %add3A_1025 = arith.constant 128 : i32
      %add3A_1026 = vector.broadcast %add3A_1025 : i32 to vector<16xi32>
      %add3A_1027 = arith.addi %shift_right_logical3A_970, %add3A_1026 : vector<16xi32>
      %gather3A_1028 = tpu.vector_load_idx %arg6[%add3A_1027, %and3A_973] : memref<384x128xf32, #tpu.memory_space<vmem>>[vector<16xi32>, vector<16xi32>], vector<16xf32>,
      %add3A_1029 = arith.constant 32 : i32
      %add3A_1030 = arith.addi %add3A_1029, %select_n3A_997 : i32
      %swap3A_1031 = arith.index_cast %add3A_1030 : i32 to index
      %swap3A_1032 = arith.index_cast %mul3A_1015 : i32 to index
      %swap3A_1033 = tpu.vector_load %arg7[%swap3A_1031, %swap3A_1032] {strides = array<i32>} : memref<96x128xf32, #tpu.memory_space<vmem>>, vector<16xf32>,
      tpu.vector_store %arg7[%swap3A_1031, %swap3A_1032], %gather3A_1028 {strides = array<i32>} : memref<96x128xf32, #tpu.memory_space<vmem>>, vector<16xf32>,
      %add3A_1034 = arith.constant 256 : i32
      %add3A_1035 = vector.broadcast %add3A_1034 : i32 to vector<16xi32>
      %add3A_1036 = arith.addi %shift_right_logical3A_970, %add3A_1035 : vector<16xi32>
      %gather3A_1037 = tpu.vector_load_idx %arg6[%add3A_1036, %and3A_973] : memref<384x128xf32, #tpu.memory_space<vmem>>[vector<16xi32>, vector<16xi32>], vector<16xf32>,
      %add3A_1038 = arith.constant 64 : i32
      %add3A_1039 = arith.addi %add3A_1038, %select_n3A_997 : i32
      %swap3A_1040 = arith.index_cast %add3A_1039 : i32 to index
      %swap3A_1041 = arith.index_cast %mul3A_1015 : i32 to index
      %swap3A_1042 = tpu.vector_load %arg7[%swap3A_1040, %swap3A_1041] {strides = array<i32>} : memref<96x128xf32, #tpu.memory_space<vmem>>, vector<16xf32>,
      tpu.vector_store %arg7[%swap3A_1040, %swap3A_1041], %gather3A_1037 {strides = array<i32>} : memref<96x128xf32, #tpu.memory_space<vmem>>, vector<16xf32>,
    }
    %scan3A_267 = arith.constant 128 : i32
    %add3A_268 = arith.constant 0 : i32
    %add3A_269 = arith.addi %add3A_268, %select_n3A : i32
    %dma_start3A_270 = arith.constant 16 : i32
    %dma_start3A_271 = arith.constant 0 : i32
    %dma_start3A_272 = tpu.memref_slice %arg7[%dma_start3A_270, %dma_start3A_271] : memref<96x128xf32, #tpu.memory_space<vmem>> -> memref<16x128xf32, #tpu.memory_space<vmem>>
    %dma_start3A_273 = arith.constant 16 : i32
    %dma_start3A_274 = arith.constant 0 : i32
    %dma_start3A_275 = tpu.memref_slice %arg4[%add3A_269, %dma_start3A_273, %select_n3A_30, %dma_start3A_274] : memref<12x32x8x128xf32, #tpu.memory_space<hbm>> -> memref<1x16x1x128xf32, #tpu.memory_space<hbm>>
    %dma_start3A_276 = tpu.memref_squeeze %dma_start3A_275 : memref<1x16x1x128xf32, #tpu.memory_space<hbm>> -> memref<16x128xf32, #tpu.memory_space<hbm>>
    %dma_start3A_277 = arith.constant 16 : i32
    %dma_start3A_278 = arith.constant 0 : i32
    %dma_start3A_279 = tpu.memref_slice %arg4[%add3A_269, %dma_start3A_277, %select_n3A_30, %dma_start3A_278] : memref<12x32x8x128xf32, #tpu.memory_space<hbm>> -> memref<1x16x1x128xf32, #tpu.memory_space<hbm>>
    %dma_start3A_280 = tpu.memref_squeeze %dma_start3A_279 : memref<1x16x1x128xf32, #tpu.memory_space<hbm>> -> memref<16x128xf32, #tpu.memory_space<hbm>>
    %dma_start3A_281 = arith.constant 16 : i32
    %dma_start3A_282 = arith.constant 0 : i32
    %dma_start3A_283 = tpu.memref_slice %arg7[%dma_start3A_281, %dma_start3A_282] : memref<96x128xf32, #tpu.memory_space<vmem>> -> memref<16x128xf32, #tpu.memory_space<vmem>>
    tpu.enqueue_dma source(%dma_start3A_283 : memref<16x128xf32, #tpu.memory_space<vmem>>) target(%dma_start3A_280 : memref<16x128xf32, #tpu.memory_space<hbm>>) target_semaphore(%arg12 : memref<!tpu.dma_semaphore, #tpu.memory_space<semaphore_mem>>)
    %add3A_284 = arith.constant 4 : i32
    %add3A_285 = arith.addi %add3A_284, %select_n3A : i32
    %dma_start3A_286 = arith.constant 48 : i32
    %dma_start3A_287 = arith.constant 0 : i32
    %dma_start3A_288 = tpu.memref_slice %arg7[%dma_start3A_286, %dma_start3A_287] : memref<96x128xf32, #tpu.memory_space<vmem>> -> memref<16x128xf32, #tpu.memory_space<vmem>>
    %dma_start3A_289 = arith.constant 16 : i32
    %dma_start3A_290 = arith.constant 0 : i32
    %dma_start3A_291 = tpu.memref_slice %arg4[%add3A_285, %dma_start3A_289, %select_n3A_30, %dma_start3A_290] : memref<12x32x8x128xf32, #tpu.memory_space<hbm>> -> memref<1x16x1x128xf32, #tpu.memory_space<hbm>>
    %dma_start3A_292 = tpu.memref_squeeze %dma_start3A_291 : memref<1x16x1x128xf32, #tpu.memory_space<hbm>> -> memref<16x128xf32, #tpu.memory_space<hbm>>
    %dma_start3A_293 = arith.constant 16 : i32
    %dma_start3A_294 = arith.constant 0 : i32
    %dma_start3A_295 = tpu.memref_slice %arg4[%add3A_285, %dma_start3A_293, %select_n3A_30, %dma_start3A_294] : memref<12x32x8x128xf32, #tpu.memory_space<hbm>> -> memref<1x16x1x128xf32, #tpu.memory_space<hbm>>
    %dma_start3A_296 = tpu.memref_squeeze %dma_start3A_295 : memref<1x16x1x128xf32, #tpu.memory_space<hbm>> -> memref<16x128xf32, #tpu.memory_space<hbm>>
    %dma_start3A_297 = arith.constant 48 : i32
    %dma_start3A_298 = arith.constant 0 : i32
    %dma_start3A_299 = tpu.memref_slice %arg7[%dma_start3A_297, %dma_start3A_298] : memref<96x128xf32, #tpu.memory_space<vmem>> -> memref<16x128xf32, #tpu.memory_space<vmem>>
    tpu.enqueue_dma source(%dma_start3A_299 : memref<16x128xf32, #tpu.memory_space<vmem>>) target(%dma_start3A_296 : memref<16x128xf32, #tpu.memory_space<hbm>>) target_semaphore(%arg13 : memref<!tpu.dma_semaphore, #tpu.memory_space<semaphore_mem>>)
    %add3A_300 = arith.constant 8 : i32
    %add3A_301 = arith.addi %add3A_300, %select_n3A : i32
    %dma_start3A_302 = arith.constant 80 : i32
    %dma_start3A_303 = arith.constant 0 : i32
    %dma_start3A_304 = tpu.memref_slice %arg7[%dma_start3A_302, %dma_start3A_303] : memref<96x128xf32, #tpu.memory_space<vmem>> -> memref<16x128xf32, #tpu.memory_space<vmem>>
    %dma_start3A_305 = arith.constant 16 : i32
    %dma_start3A_306 = arith.constant 0 : i32
    %dma_start3A_307 = tpu.memref_slice %arg4[%add3A_301, %dma_start3A_305, %select_n3A_30, %dma_start3A_306] : memref<12x32x8x128xf32, #tpu.memory_space<hbm>> -> memref<1x16x1x128xf32, #tpu.memory_space<hbm>>
    %dma_start3A_308 = tpu.memref_squeeze %dma_start3A_307 : memref<1x16x1x128xf32, #tpu.memory_space<hbm>> -> memref<16x128xf32, #tpu.memory_space<hbm>>
    %dma_start3A_309 = arith.constant 16 : i32
    %dma_start3A_310 = arith.constant 0 : i32
    %dma_start3A_311 = tpu.memref_slice %arg4[%add3A_301, %dma_start3A_309, %select_n3A_30, %dma_start3A_310] : memref<12x32x8x128xf32, #tpu.memory_space<hbm>> -> memref<1x16x1x128xf32, #tpu.memory_space<hbm>>
    %dma_start3A_312 = tpu.memref_squeeze %dma_start3A_311 : memref<1x16x1x128xf32, #tpu.memory_space<hbm>> -> memref<16x128xf32, #tpu.memory_space<hbm>>
    %dma_start3A_313 = arith.constant 80 : i32
    %dma_start3A_314 = arith.constant 0 : i32
    %dma_start3A_315 = tpu.memref_slice %arg7[%dma_start3A_313, %dma_start3A_314] : memref<96x128xf32, #tpu.memory_space<vmem>> -> memref<16x128xf32, #tpu.memory_space<vmem>>
    tpu.enqueue_dma source(%dma_start3A_315 : memref<16x128xf32, #tpu.memory_space<vmem>>) target(%dma_start3A_312 : memref<16x128xf32, #tpu.memory_space<hbm>>) target_semaphore(%arg14 : memref<!tpu.dma_semaphore, #tpu.memory_space<semaphore_mem>>)
    %dma_wait3A_316 = arith.constant 0 : i32
    %dma_wait3A_317 = arith.constant 0 : i32
    %dma_wait3A_318 = tpu.memref_slice %arg7[%dma_wait3A_316, %dma_wait3A_317] : memref<96x128xf32, #tpu.memory_space<vmem>> -> memref<16x128xf32, #tpu.memory_space<vmem>>
    %dma_wait3A_319 = arith.constant 0 : i32
    %dma_wait3A_320 = arith.constant 0 : i32
    %dma_wait3A_321 = tpu.memref_slice %arg4[%add3A_215, %dma_wait3A_319, %select_n3A_30, %dma_wait3A_320] : memref<12x32x8x128xf32, #tpu.memory_space<hbm>> -> memref<1x16x1x128xf32, #tpu.memory_space<hbm>>
    %dma_wait3A_322 = tpu.memref_squeeze %dma_wait3A_321 : memref<1x16x1x128xf32, #tpu.memory_space<hbm>> -> memref<16x128xf32, #tpu.memory_space<hbm>>
    %dma_wait3A_323 = arith.constant 0 : i32
    %dma_wait3A_324 = arith.constant 0 : i32
    %dma_wait3A_325 = tpu.memref_slice %arg4[%add3A_215, %dma_wait3A_323, %select_n3A_30, %dma_wait3A_324] : memref<12x32x8x128xf32, #tpu.memory_space<hbm>> -> memref<1x16x1x128xf32, #tpu.memory_space<hbm>>
    %dma_wait3A_326 = tpu.memref_squeeze %dma_wait3A_325 : memref<1x16x1x128xf32, #tpu.memory_space<hbm>> -> memref<16x128xf32, #tpu.memory_space<hbm>>
    %dma_wait3A_327 = arith.constant 0 : i32
    %dma_wait3A_328 = arith.constant 0 : i32
    %dma_wait3A_329 = tpu.memref_slice %arg7[%dma_wait3A_327, %dma_wait3A_328] : memref<96x128xf32, #tpu.memory_space<vmem>> -> memref<16x128xf32, #tpu.memory_space<vmem>>
    tpu.wait_dma2 semaphore(%arg9 : memref<!tpu.dma_semaphore, #tpu.memory_space<semaphore_mem>>) src(%dma_wait3A_329 : memref<16x128xf32, #tpu.memory_space<vmem>>) dst(%dma_wait3A_326 : memref<16x128xf32, #tpu.memory_space<hbm>>)
    %dma_wait3A_330 = arith.constant 32 : i32
    %dma_wait3A_331 = arith.constant 0 : i32
    %dma_wait3A_332 = tpu.memref_slice %arg7[%dma_wait3A_330, %dma_wait3A_331] : memref<96x128xf32, #tpu.memory_space<vmem>> -> memref<16x128xf32, #tpu.memory_space<vmem>>
    %dma_wait3A_333 = arith.constant 0 : i32
    %dma_wait3A_334 = arith.constant 0 : i32
    %dma_wait3A_335 = tpu.memref_slice %arg4[%add3A_231, %dma_wait3A_333, %select_n3A_30, %dma_wait3A_334] : memref<12x32x8x128xf32, #tpu.memory_space<hbm>> -> memref<1x16x1x128xf32, #tpu.memory_space<hbm>>
    %dma_wait3A_336 = tpu.memref_squeeze %dma_wait3A_335 : memref<1x16x1x128xf32, #tpu.memory_space<hbm>> -> memref<16x128xf32, #tpu.memory_space<hbm>>
    %dma_wait3A_337 = arith.constant 0 : i32
    %dma_wait3A_338 = arith.constant 0 : i32
    %dma_wait3A_339 = tpu.memref_slice %arg4[%add3A_231, %dma_wait3A_337, %select_n3A_30, %dma_wait3A_338] : memref<12x32x8x128xf32, #tpu.memory_space<hbm>> -> memref<1x16x1x128xf32, #tpu.memory_space<hbm>>
    %dma_wait3A_340 = tpu.memref_squeeze %dma_wait3A_339 : memref<1x16x1x128xf32, #tpu.memory_space<hbm>> -> memref<16x128xf32, #tpu.memory_space<hbm>>
    %dma_wait3A_341 = arith.constant 32 : i32
    %dma_wait3A_342 = arith.constant 0 : i32
    %dma_wait3A_343 = tpu.memref_slice %arg7[%dma_wait3A_341, %dma_wait3A_342] : memref<96x128xf32, #tpu.memory_space<vmem>> -> memref<16x128xf32, #tpu.memory_space<vmem>>
    tpu.wait_dma2 semaphore(%arg10 : memref<!tpu.dma_semaphore, #tpu.memory_space<semaphore_mem>>) src(%dma_wait3A_343 : memref<16x128xf32, #tpu.memory_space<vmem>>) dst(%dma_wait3A_340 : memref<16x128xf32, #tpu.memory_space<hbm>>)
    %dma_wait3A_344 = arith.constant 64 : i32
    %dma_wait3A_345 = arith.constant 0 : i32
    %dma_wait3A_346 = tpu.memref_slice %arg7[%dma_wait3A_344, %dma_wait3A_345] : memref<96x128xf32, #tpu.memory_space<vmem>> -> memref<16x128xf32, #tpu.memory_space<vmem>>
    %dma_wait3A_347 = arith.constant 0 : i32
    %dma_wait3A_348 = arith.constant 0 : i32
    %dma_wait3A_349 = tpu.memref_slice %arg4[%add3A_247, %dma_wait3A_347, %select_n3A_30, %dma_wait3A_348] : memref<12x32x8x128xf32, #tpu.memory_space<hbm>> -> memref<1x16x1x128xf32, #tpu.memory_space<hbm>>
    %dma_wait3A_350 = tpu.memref_squeeze %dma_wait3A_349 : memref<1x16x1x128xf32, #tpu.memory_space<hbm>> -> memref<16x128xf32, #tpu.memory_space<hbm>>
    %dma_wait3A_351 = arith.constant 0 : i32
    %dma_wait3A_352 = arith.constant 0 : i32
    %dma_wait3A_353 = tpu.memref_slice %arg4[%add3A_247, %dma_wait3A_351, %select_n3A_30, %dma_wait3A_352] : memref<12x32x8x128xf32, #tpu.memory_space<hbm>> -> memref<1x16x1x128xf32, #tpu.memory_space<hbm>>
    %dma_wait3A_354 = tpu.memref_squeeze %dma_wait3A_353 : memref<1x16x1x128xf32, #tpu.memory_space<hbm>> -> memref<16x128xf32, #tpu.memory_space<hbm>>
    %dma_wait3A_355 = arith.constant 64 : i32
    %dma_wait3A_356 = arith.constant 0 : i32
    %dma_wait3A_357 = tpu.memref_slice %arg7[%dma_wait3A_355, %dma_wait3A_356] : memref<96x128xf32, #tpu.memory_space<vmem>> -> memref<16x128xf32, #tpu.memory_space<vmem>>
    tpu.wait_dma2 semaphore(%arg11 : memref<!tpu.dma_semaphore, #tpu.memory_space<semaphore_mem>>) src(%dma_wait3A_357 : memref<16x128xf32, #tpu.memory_space<vmem>>) dst(%dma_wait3A_354 : memref<16x128xf32, #tpu.memory_space<hbm>>)
    %dma_wait3A_358 = arith.constant 16 : i32
    %dma_wait3A_359 = arith.constant 0 : i32
    %dma_wait3A_360 = tpu.memref_slice %arg7[%dma_wait3A_358, %dma_wait3A_359] : memref<96x128xf32, #tpu.memory_space<vmem>> -> memref<16x128xf32, #tpu.memory_space<vmem>>
    %dma_wait3A_361 = arith.constant 16 : i32
    %dma_wait3A_362 = arith.constant 0 : i32
    %dma_wait3A_363 = tpu.memref_slice %arg4[%add3A_269, %dma_wait3A_361, %select_n3A_30, %dma_wait3A_362] : memref<12x32x8x128xf32, #tpu.memory_space<hbm>> -> memref<1x16x1x128xf32, #tpu.memory_space<hbm>>
    %dma_wait3A_364 = tpu.memref_squeeze %dma_wait3A_363 : memref<1x16x1x128xf32, #tpu.memory_space<hbm>> -> memref<16x128xf32, #tpu.memory_space<hbm>>
    %dma_wait3A_365 = arith.constant 16 : i32
    %dma_wait3A_366 = arith.constant 0 : i32
    %dma_wait3A_367 = tpu.memref_slice %arg4[%add3A_269, %dma_wait3A_365, %select_n3A_30, %dma_wait3A_366] : memref<12x32x8x128xf32, #tpu.memory_space<hbm>> -> memref<1x16x1x128xf32, #tpu.memory_space<hbm>>
    %dma_wait3A_368 = tpu.memref_squeeze %dma_wait3A_367 : memref<1x16x1x128xf32, #tpu.memory_space<hbm>> -> memref<16x128xf32, #tpu.memory_space<hbm>>
    %dma_wait3A_369 = arith.constant 16 : i32
    %dma_wait3A_370 = arith.constant 0 : i32
    %dma_wait3A_371 = tpu.memref_slice %arg7[%dma_wait3A_369, %dma_wait3A_370] : memref<96x128xf32, #tpu.memory_space<vmem>> -> memref<16x128xf32, #tpu.memory_space<vmem>>
    tpu.wait_dma2 semaphore(%arg12 : memref<!tpu.dma_semaphore, #tpu.memory_space<semaphore_mem>>) src(%dma_wait3A_371 : memref<16x128xf32, #tpu.memory_space<vmem>>) dst(%dma_wait3A_368 : memref<16x128xf32, #tpu.memory_space<hbm>>)
    %dma_wait3A_372 = arith.constant 48 : i32
    %dma_wait3A_373 = arith.constant 0 : i32
    %dma_wait3A_374 = tpu.memref_slice %arg7[%dma_wait3A_372, %dma_wait3A_373] : memref<96x128xf32, #tpu.memory_space<vmem>> -> memref<16x128xf32, #tpu.memory_space<vmem>>
    %dma_wait3A_375 = arith.constant 16 : i32
    %dma_wait3A_376 = arith.constant 0 : i32
    %dma_wait3A_377 = tpu.memref_slice %arg4[%add3A_285, %dma_wait3A_375, %select_n3A_30, %dma_wait3A_376] : memref<12x32x8x128xf32, #tpu.memory_space<hbm>> -> memref<1x16x1x128xf32, #tpu.memory_space<hbm>>
    %dma_wait3A_378 = tpu.memref_squeeze %dma_wait3A_377 : memref<1x16x1x128xf32, #tpu.memory_space<hbm>> -> memref<16x128xf32, #tpu.memory_space<hbm>>
    %dma_wait3A_379 = arith.constant 16 : i32
    %dma_wait3A_380 = arith.constant 0 : i32
    %dma_wait3A_381 = tpu.memref_slice %arg4[%add3A_285, %dma_wait3A_379, %select_n3A_30, %dma_wait3A_380] : memref<12x32x8x128xf32, #tpu.memory_space<hbm>> -> memref<1x16x1x128xf32, #tpu.memory_space<hbm>>
    %dma_wait3A_382 = tpu.memref_squeeze %dma_wait3A_381 : memref<1x16x1x128xf32, #tpu.memory_space<hbm>> -> memref<16x128xf32, #tpu.memory_space<hbm>>
    %dma_wait3A_383 = arith.constant 48 : i32
    %dma_wait3A_384 = arith.constant 0 : i32
    %dma_wait3A_385 = tpu.memref_slice %arg7[%dma_wait3A_383, %dma_wait3A_384] : memref<96x128xf32, #tpu.memory_space<vmem>> -> memref<16x128xf32, #tpu.memory_space<vmem>>
    tpu.wait_dma2 semaphore(%arg13 : memref<!tpu.dma_semaphore, #tpu.memory_space<semaphore_mem>>) src(%dma_wait3A_385 : memref<16x128xf32, #tpu.memory_space<vmem>>) dst(%dma_wait3A_382 : memref<16x128xf32, #tpu.memory_space<hbm>>)
    %dma_wait3A_386 = arith.constant 80 : i32
    %dma_wait3A_387 = arith.constant 0 : i32
    %dma_wait3A_388 = tpu.memref_slice %arg7[%dma_wait3A_386, %dma_wait3A_387] : memref<96x128xf32, #tpu.memory_space<vmem>> -> memref<16x128xf32, #tpu.memory_space<vmem>>
    %dma_wait3A_389 = arith.constant 16 : i32
    %dma_wait3A_390 = arith.constant 0 : i32
    %dma_wait3A_391 = tpu.memref_slice %arg4[%add3A_301, %dma_wait3A_389, %select_n3A_30, %dma_wait3A_390] : memref<12x32x8x128xf32, #tpu.memory_space<hbm>> -> memref<1x16x1x128xf32, #tpu.memory_space<hbm>>
    %dma_wait3A_392 = tpu.memref_squeeze %dma_wait3A_391 : memref<1x16x1x128xf32, #tpu.memory_space<hbm>> -> memref<16x128xf32, #tpu.memory_space<hbm>>
    %dma_wait3A_393 = arith.constant 16 : i32
    %dma_wait3A_394 = arith.constant 0 : i32
    %dma_wait3A_395 = tpu.memref_slice %arg4[%add3A_301, %dma_wait3A_393, %select_n3A_30, %dma_wait3A_394] : memref<12x32x8x128xf32, #tpu.memory_space<hbm>> -> memref<1x16x1x128xf32, #tpu.memory_space<hbm>>
    %dma_wait3A_396 = tpu.memref_squeeze %dma_wait3A_395 : memref<1x16x1x128xf32, #tpu.memory_space<hbm>> -> memref<16x128xf32, #tpu.memory_space<hbm>>
    %dma_wait3A_397 = arith.constant 80 : i32
    %dma_wait3A_398 = arith.constant 0 : i32
    %dma_wait3A_399 = tpu.memref_slice %arg7[%dma_wait3A_397, %dma_wait3A_398] : memref<96x128xf32, #tpu.memory_space<vmem>> -> memref<16x128xf32, #tpu.memory_space<vmem>>
    tpu.wait_dma2 semaphore(%arg14 : memref<!tpu.dma_semaphore, #tpu.memory_space<semaphore_mem>>) src(%dma_wait3A_399 : memref<16x128xf32, #tpu.memory_space<vmem>>) dst(%dma_wait3A_396 : memref<16x128xf32, #tpu.memory_space<hbm>>)
    return
  }
}

</mosaic_0001>

<sc_bundles>
// kernel: kernel.3.cloned.1.call-start
scs
__scs_entry_jumppad:
0x0: {  	(pc) =	sbr.rel $0x88, $3  }
0x1: {  	(tag) =	ssettag $0x0;
	lr =	simm.s32 $0x1  }
0x2: {  	[smem:$0x3FA0] =	sst lr;
	_ =	strace $0xD0000000  }
0x3: {  	_ = 	snop  }
0x4: {  	_ = 	snop  }
0x5: {  	_ = 	snop  }
0x6: {  	_ = 	snop  }
0x7: {  	_ = 	snop  }
__scs_overlays_trampoline_lowered:
0x8: {  	[smem:$0x3FAF] =	sst s0  }
0x9: {  	[smem:$0x3FB0] =	sst s1  }
0xa: {  	[smem:$0x3FB1] =	sst s2  }
0xb: {  	[smem:$0x3FB2] =	sst s3  }
0xc: {  	[smem:$0x3FB3] =	sst s4  }
0xd: {  	[smem:$0x3FB4] =	sst s5  }
0xe: {  	[smem:$0x3FB5] =	sst s6  }
0xf: {  	[smem:$0x3FB6] =	sst s7  }
0x10: {  	[smem:$0x3FB7] =	sst s8  }
0x11: {  	[smem:$0x3FB8] =	sst s9;
	s0 =	simm.s32 @!p0 $0x0  }
0x12: {  	s1 =	sld [smem:$0x3F9E];
	s0 =	simm.s32 @p0 $0x1  }
0x13: {  	[smem:$0x3FB9] =	sst s0;
	s0 =	simm.s32 @!p1 $0x0  }
0x14: {  	s2 =	sld [smem:$0x3F9D];
	s0 =	simm.s32 @p1 $0x1  }
0x15: {  	[smem:$0x3FBA] =	sst s0;
	s0 =	simm.s32 @!p2 $0x0  }
0x16: {  	s3 =	sld [smem:$0x3FDB];
	s0 =	simm.s32 @p2 $0x1  }
0x17: {  	s4 =	simm.s32 $0x1BF5;
	[smem:$0x3FBC] =	sst s0  }
0x18: {  	s0 =	sld [smem:$0x3F9F];
	_ =	swait.ge [sflag:s4], $0x0  }
0x19: {  	s7 =	sld [smem:$0x3FA0]  }
0x1a: {  	s8 =	sadd.s32 $0xFFFFE003, lr  }
0x1b: {  	s9 =	sadd.s32 $0xFFFFFEF7, lr;
	s5 =	simm.s32 $0xFFFFFFFF;
	p2 =	slt.u32 s8, $0xFFFFF086  }
0x1c: {  	p1 =	slt.u32 s9, $0xF7A;
	s5 =	simm.s32 @!p2 $0x0  }
0x1d: {  	s5 =	simm.s32 @p1 $0x1;
	p0 =	seq.s32 s7, s2  }
0x1e: {  	s7 =	smul.u32 @!p0 $0xF7A, s2;
	p2 =	seq.s32 @!p0 s5, $0x0  }
0x1f: {  	s9 =	smul.u32 $0xF7A, s1;
	s8 =	simm.s32 @!p0 $0x1BF5;
	p2 =	por !p2, p0  }
0x20: {  	[sflag:s8] =	ssyncset.s32 @!p0 $0xFFFFF086;
	s6 =	sadd.s32 @!p0 s3, s7;
	s7 =	simm.s32 @!p0 $0x108  }
0x21: {  	s3 =	sadd.s32 s3, s9;
	s6 =	sadd.s32 @!p0 $0x88, s6;
	s7 =	simm.s32 @p2 $0x1082  }
0x22: {  	[simem:s7], [sflag:s8] =	dma.local @!p0 [hbm:s6], $0xF7A  }
0x23: {  	s9 =	sor.u32 $0xD0000000, s2;
	s6 =	simm.s32 $0x108;
	_ =	swait.ge @!p0 [sflag:s8], $0x0  }
0x24: {  	s3 =	sadd.s32 $0x88, s3;
	s6 =	simm.s32 @!p1 $0x1082;
	[sflag:s4] =	ssyncset.s32 $0xFFFFF086  }
0x25: {  	[simem:s6], [sflag:s4] =	dma.local [hbm:s3], $0xF7A  }
0x26: {  	[smem:$0x3FA0] =	sst s1;
	(tag) =	ssettag s2;
	_ =	strace s9  }
0x27: {  	s1 =	sld [smem:$0x3FB0]  }
0x28: {  	s2 =	sld [smem:$0x3FB1]  }
0x29: {  	s4 =	sld [smem:$0x3FB3]  }
0x2a: {  	p0 =	seq.s32 s5, $0x0;
	s5 =	sld [smem:$0x3FB4]  }
0x2b: {  	s6 =	sld [smem:$0x3FB5]  }
0x2c: {  	s7 =	sld [smem:$0x3FB6]  }
0x2d: {  	s3 =	simm.s32 $0x108;
	s8 =	sld [smem:$0x3FB7]  }
0x2e: {  	s3 =	simm.s32 @!p0 $0x1082;
	s9 =	sld [smem:$0x3FB8]  }
0x2f: {  	lr =	sadd.s32 s0, s3;
	s0 =	sld [smem:$0x3FAF]  }
0x30: {  	s3 =	sld [smem:$0x3FB2]  }
0x31: {  	[smem:$0x3FBB] =	sst s10  }
0x32: {  	s10 =	sld [smem:$0x3FB9];
	_ =	sdelay $0x3  }
0x33: {  	p0 =	seq.s32 s10, $0x1;
	s10 =	sld [smem:$0x3FBB];
	_ =	sdelay $0x3  }
0x34: {  	[smem:$0x3FBB] =	sst s10  }
0x35: {  	s10 =	sld [smem:$0x3FBA];
	_ =	sdelay $0x3  }
0x36: {  	p1 =	seq.s32 s10, $0x1;
	s10 =	sld [smem:$0x3FBB];
	_ =	sdelay $0x3  }
0x37: {  	[smem:$0x3FBB] =	sst s10  }
0x38: {  	s10 =	sld [smem:$0x3FBC]  }
0x39: {  	_ = 	snop;
	(pc) =	sbr.ind lr, $3  }
0x3a: {  	_ = 	snop  }
0x3b: {  	_ = 	snop  }
0x3c: {  	p2 =	seq.s32 s10, $0x1;
	s10 =	sld [smem:$0x3FBB]  }
0x3d: {  	_ =	shalt  }
0x3e: {  	_ =	shalt  }
0x3f: {  	_ =	shalt  }
0x40: {  	_ =	shalt  }
0x41: {  	_ =	shalt  }
0x42: {  	_ =	shalt  }
0x43: {  	_ =	shalt  }
0x44: {  	_ =	shalt  }
0x45: {  	_ =	shalt  }
0x46: {  	_ =	shalt  }
0x47: {  	_ =	shalt  }
0x48: {  	_ =	shalt  }
0x49: {  	_ =	shalt  }
0x4a: {  	_ =	shalt  }
0x4b: {  	_ =	shalt  }
0x4c: {  	_ =	shalt  }
0x4d: {  	_ =	shalt  }
0x4e: {  	_ =	shalt  }
0x4f: {  	_ =	shalt  }
0x50: {  	_ =	shalt  }
0x51: {  	_ =	shalt  }
0x52: {  	_ =	shalt  }
0x53: {  	_ =	shalt  }
0x54: {  	_ =	shalt  }
0x55: {  	_ =	shalt  }
0x56: {  	_ =	shalt  }
0x57: {  	_ =	shalt  }
0x58: {  	_ =	shalt  }
0x59: {  	_ =	shalt  }
0x5a: {  	_ =	shalt  }
0x5b: {  	_ =	shalt  }
0x5c: {  	_ =	shalt  }
0x5d: {  	_ =	shalt  }
0x5e: {  	_ =	shalt  }
0x5f: {  	_ =	shalt  }
0x60: {  	_ =	shalt  }
0x61: {  	_ =	shalt  }
0x62: {  	_ =	shalt  }
0x63: {  	_ =	shalt  }
0x64: {  	_ =	shalt  }
0x65: {  	_ =	shalt  }
0x66: {  	_ =	shalt  }
0x67: {  	_ =	shalt  }
0x68: {  	_ =	shalt  }
0x69: {  	_ =	shalt  }
0x6a: {  	_ =	shalt  }
0x6b: {  	_ =	shalt  }
0x6c: {  	_ =	shalt  }
0x6d: {  	_ =	shalt  }
0x6e: {  	_ =	shalt  }
0x6f: {  	_ =	shalt  }
0x70: {  	_ =	shalt  }
0x71: {  	_ =	shalt  }
0x72: {  	_ =	shalt  }
0x73: {  	_ =	shalt  }
0x74: {  	_ =	shalt  }
0x75: {  	_ =	shalt  }
0x76: {  	_ =	shalt  }
0x77: {  	_ =	shalt  }
0x78: {  	_ =	shalt  }
0x79: {  	_ =	shalt  }
0x7a: {  	_ =	shalt  }
0x7b: {  	_ =	shalt  }
0x7c: {  	_ =	shalt  }
0x7d: {  	_ =	shalt  }
0x7e: {  	_ =	shalt  }
0x7f: {  	_ =	shalt  }
0x80: {  	_ =	shalt  }
0x81: {  	_ =	shalt  }
0x82: {  	_ =	shalt  }
0x83: {  	_ =	shalt  }
0x84: {  	_ =	shalt  }
0x85: {  	_ =	shalt  }
0x86: {  	_ =	shalt  }
0x87: {  	_ =	shalt  }
.Lfunc_end0:
.L_simem_size_0:
called_computation_lowered:
.L_overlay_start_0:
0x88: {  	s2 =	sld [smem:$0x3FD9]  }
0x89: {  	s3 =	sld [smem:$0x3FFE];
	_ =	sdelay $0x1  }
0x8a: {  	s1 =	srdreg.scid  }
0x8b: {  	s0 =	sand.u32 $0x1, s1  }
0x8c: {  	s17 =	sshll.u32 s0, $0xA;
	s2 =	sadd.s32 s3, s2  }
0x8d: {  	s2 =	sadd.s32 s2, s17  }
0x8e: {  	[smem:$0x3FC7] =	sst s2  }
0x8f: {  	_ = 	snop  }
0x90: {  	s2 =	sld [smem:$0x3FC9]  }
0x91: {  	s18 =	sld [smem:$0x3FD0];
	(tm) =	ssettm $0x1  }
0x92: {  	s4 =	sld [smem:$0x3FFB];
	_ =	sdelay $0x3  }
0x93: {  	_ =	strace s4  }
0x94: {  	s4 =	sld [smem:$0x3FFC];
	_ =	sdelay $0x3  }
0x95: {  	_ =	strace s4  }
0x96: {  	s4 =	sld [smem:$0x3FFD];
	_ =	sdelay $0x3  }
0x97: {  	_ =	strace s4  }
0x98: {  	_ =	strace $0x8FFFFFFF  }
0x99: {  	s19 =	sld [smem:$0x3FDB];
	_ =	sdelay $0x1  }
0x9a: {  	s5 =	simm.s32 $_scs_section_size  }
0x9b: {  	s6 =	simm.s32 $_size__tile_overlayer_lowered;
	s7 =	simm.s32 $_tile_overlayer_lowered  }
0x9c: {  	s22 =	simm.s32 $0x1BFF;
	s21 =	sshll.u32 s7, $0x1;
	s4 =	sadd.s32 s5, s19  }
0x9d: {  	s8 =	simm.s32 $0x0;
	s20 =	sshll.u32 s6, $0x1;
	s6 =	sadd.s32 s21, s4  }
0x9e: {  	[timem:s8], [sflag:s22] =	dma.local [hbm:s6], s20  }
0x9f: {  	_ =	swait.ge [sflag:s22], s20  }
0xa0: {  	s5 =	ssub.s32 $0x0, s20;
	[sflag:s22] =	ssyncset.done $0x0  }
0xa1: {  	[sflag:s22] =	ssyncadd.s32 s5;
	_ =	sdelay $0x1  }
0xa2: {  	s23 =	simm.s32 $0x1B8B  }
0xa3: {  	_ =	swait.ge [sflag:s23], $0x1  }
0xa4: {  	[sflag:s23] =	ssyncset.done $0x0  }
0xa5: {  	s25 =	simm.s32 $0x1B8E;
	s24 =	sld [smem:$0x3FFE];
	[sflag:s23] =	ssyncadd.s32 $0xFFFFFFFF  }
0xa6: {  	s26 =	simm.s32 $execute0_lowered;
	[smem:$0x3FD2] =	sst s25  }
0xa7: {  	s6 =	sshll.u32 s26, $0x1;
	_ =	strace $0x80000046;
	[dreg:$0x1] =	wrdreg $0xFFFFFFFF  }
0xa8: {  	s28 =	simm.s32 $_size_execute0_lowered;
	s4 =	sadd.s32 s4, s6;
	[dreg:$0x0] =	wrdreg $0x0  }
0xa9: {  	s6 =	sshll.u32 s28, $0x1;
	[dreg:$0x2] =	wrdreg s4  }
0xaa: {  	[dreg:$0x3] =	wrdreg s6  }
0xab: {  	[dreg:$0x4] =	wrdreg $0xC0  }
0xac: {  	_ =	task [dreg:s8], $0x5FFFF  }
0xad: {  	[dreg:$0x1] =	wrdreg $0xFFFFFFFF  }
0xae: {  	[dreg:$0x0] =	wrdreg $0x60  }
0xaf: {  	[dreg:$0x2] =	wrdreg s2  }
0xb0: {  	[dreg:$0x3] =	wrdreg s24  }
0xb1: {  	[dreg:$0x4] =	wrdreg s18  }
0xb2: {  	[dreg:$0x5] =	wrdreg $0x9  }
0xb3: {  	_ =	task.clear_ibuf [dreg:s8], $0x6FFFF;
	_ =	strace $0x90000046  }
0xb4: {  	s29 =	simm.s32 $0x9;
	_ =	strace $0x80000048  }
0xb5: {  	_ =	swait.ge [sflag:s29], $0x1  }
0xb6: {  	[sflag:s29] =	ssyncadd.s32 $0xFFFFFFFF  }
0xb7: {  	_ =	strace $0x90000048  }
0xb8: {  	_ =	sfence  }
0xb9: {  	s30 =	sld [smem:$0x0];
	_ =	sdelay $0x2  }
0xba: {  	s31 =	sshll.u32 s1, $0xD;
	s1 =	sshrl.u32 s1, $0x2  }
0xbb: {  	s3 =	sand.u32 $0x4000, s31;
	s1 =	sadd.s32 s1, s30  }
0xbc: {  	s0 =	sor.u32 s3, s0;
	s1 =	sshll.u32 s1, $0x11  }
0xbd: {  	s0 =	sor.u32 s1, s0  }
0xbe: {  	s0 =	sadd.s32 $0x8F2B, s0  }
0xbf: {  	[sflag:s0] =	ssyncadd.remote.s32 $0x1  }
0xc0: {  	_ =	sfence.sel $0xFFFF  }
0xc1: {  	[dreg:$0x0] =	wrdreg $0xFFFFFFFF;
	(pc) =	sbr.abs _section_cstart, $3  }
0xc2: {  	[dreg:$0x1] =	wrdreg $0xFFFFFFFF  }
0xc3: {  	_ =	task.clear_ibuf [dreg:s8], $0x2FFFF;
	_ =	strace $0x9FFFFFFF  }
0xc4: {  	(tm) =	ssettm $0x7FFFFFFF  }
0xc5: {  	_ =	shalt  }
tec
execute0_lowered:
.L_overlay_start_1:
0x0: {  	(tag) =	ssettag $0x1  }
0x1: {  	s0 =	rddreg [dreg:$0x0]  }
0x2: {  	s1 =	rddreg [dreg:$0x1]  }
0x3: {  	s2 =	rddreg [dreg:$0x2];
	s3 =	simm.s32 $0x0  }
0x4: {  	s6 =	stileid.u32;
	s4 =	srdreg.scid;
	s17 =	simm.s32 $0x80  }
0x5: {  	s28 =	simm.s32 $0x3;
	s29 =	simm.s32 $0x4;
	s30 =	simm.s32 $0x5  }
0x6: {  	s31 =	simm.s32 $0x6;
	[smem:$0x7FF] =	sst s3;
	s5 =	sshll.u32 s6, $0x1  }
0x7: {  	s3 =	sadd.s32 $0x400, s1;
	s18 =	sand.u32 $0x1, s4;
	s9 =	sshrl.u32 s6, $0x2  }
0x8: {  	s12 =	sadd.s32 $0x2000, s0;
	s15 =	sadd.s32 $0x800, s2;
	_ =	strace $0x80000047  }
0x9: {  	s19 =	sand.u32 $0x6, s5;
	s20 =	ssub.s32 $0x2, s18;
	s6 =	sshll.u32 s9, $0x11  }
0xa: {  	s10 =	sor.u32 $0x4, s9;
	s11 =	sor.u32 $0x8, s9;
	s25 =	sshll.u32 s9, $0xF  }
0xb: {  	s1 =	sor.u32 s18, s19;
	s21 =	sshrl.u32 s20, $0x1;
	s24 =	sshll.u32 s10, $0x11  }
0xc: {  	s7 =	sshll.u32 s11, $0x11;
	s10 =	sshll.u32 s10, $0xF;
	s11 =	sshll.u32 s11, $0xF  }
0xd: {  	s18 =	simm.s32 $0x400;
	s19 =	simm.s32 $0x1000;
	s1 =	sshll.u32 s1, $0x7  }
0xe: {  	s16 =	ssub.s32 s20, s21;
	s21 =	simm.s32 $0xD800;
	s22 =	sor.u32 s6, s1  }
0xf: {  	s6 =	sor.u32 s24, s1;
	s7 =	sor.u32 s7, s1;
	s26 =	sor.u32 s10, s1  }
0x10: {  	s16 =	smax.u32 s16, $0x1;
	s24 =	simm.s32 $0x0;
	s23 =	sshrl.u32 s22, $0x3  }
0x11: {  	s8 =	sshrl.u32 s6, $0x3;
	s13 =	sshrl.u32 s7, $0x3;
	s14 =	sshrl.u32 s26, $0x3  }
0x12: {  	s26 =	simm.s32 $0x2;
	s22 =	simm.s32 $0xE800;
	s4 =	sadd.s32 s0, s23  }
0x13: {  	s5 =	sadd.s32 s23, s12;
	s6 =	sadd.s32 s0, s8;
	s7 =	sadd.s32 s8, s12  }
0x14: {  	s8 =	sadd.s32 s0, s13;
	s9 =	sadd.s32 s13, s12;
	s0 =	sor.u32 s25, s1  }
0x15: {  	s1 =	sor.u32 s11, s1;
	s11 =	sadd.s32 s2, s14;
	s14 =	sadd.s32 s14, s15  }
0x16: {  	s25 =	simm.s32 $0x1;
	s0 =	sshrl.u32 s0, $0x3;
	s1 =	sshrl.u32 s1, $0x3  }
0x17: {  	s23 =	simm.s32 $0xF800;
	s10 =	sadd.s32 s2, s0;
	s12 =	sadd.s32 s2, s1  }
0x18: {  	s13 =	sadd.s32 s0, s15;
	s15 =	sadd.s32 s1, s15;
	s0 =	simm.s32 $0x7  }
.LBB2_1:
0x19: {  	s1 =	simm.s32 $0x0  }
0x1a: {  	[tilespmem:s1], [sflag:$0x1] =	stream.linear.gather [hbm4b:s3+s1], $0x1000, $0x38;
	[tilespmem:$0x10000] =	vst v63  }
0x1b: {  	_ = 	snop  }
0x1c: {  	[tilespmem:s19], [sflag:$0x2] =	stream.strided.gather [hbm4b:s4+s17], $0x2000, s18, s17, $0x38;
	[tilespmem:$0x10000] =	vst v63  }
0x1d: {  	s20 =	simm.s32 $0x3000  }
0x1e: {  	[tilespmem:s20], [sflag:$0x3] =	stream.strided.gather [hbm4b:s5+s17], $0x2000, s18, s17, $0x38;
	[tilespmem:$0x10000] =	vst v63  }
0x1f: {  	s2 =	simm.s32 $0x5000  }
0x20: {  	[tilespmem:s2], [sflag:$0x4] =	stream.strided.gather [hbm4b:s6+s17], $0x2000, s18, s17, $0x38;
	[tilespmem:$0x10000] =	vst v63  }
0x21: {  	s20 =	simm.s32 $0x7000  }
0x22: {  	[tilespmem:s20], [sflag:$0x5] =	stream.strided.gather [hbm4b:s7+s17], $0x2000, s18, s17, $0x38;
	[tilespmem:$0x10000] =	vst v63  }
0x23: {  	s2 =	simm.s32 $0x9000  }
0x24: {  	[tilespmem:s2], [sflag:$0x6] =	stream.strided.gather [hbm4b:s8+s17], $0x2000, s18, s17, $0x38;
	[tilespmem:$0x10000] =	vst v63  }
0x25: {  	s20 =	simm.s32 $0xB000  }
0x26: {  	[tilespmem:s20], [sflag:$0x7] =	stream.strided.gather [hbm4b:s9+s17], $0x2000, s18, s17, $0x38;
	[tilespmem:$0x10000] =	vst v63  }
0x27: {  	_ =	swait.ge [sflag:s25], $0x1000  }
0x28: {  	[sflag:s25] =	ssyncset.done $0x0  }
0x29: {  	[sflag:s25] =	ssyncadd.s32 $0xFFFFF000  }
0x2a: {  	_ =	swait.ge [sflag:s26], $0x2000  }
0x2b: {  	[sflag:s26] =	ssyncset.done $0x0  }
0x2c: {  	[sflag:s26] =	ssyncadd.s32 $0xFFFFE000  }
0x2d: {  	_ =	swait.ge [sflag:s28], $0x2000  }
0x2e: {  	[sflag:s28] =	ssyncset.done $0x0  }
0x2f: {  	[sflag:s28] =	ssyncadd.s32 $0xFFFFE000  }
0x30: {  	_ =	swait.ge [sflag:s29], $0x2000  }
0x31: {  	[sflag:s29] =	ssyncset.done $0x0  }
0x32: {  	[sflag:s29] =	ssyncadd.s32 $0xFFFFE000  }
0x33: {  	_ =	swait.ge [sflag:s30], $0x2000  }
0x34: {  	[sflag:s30] =	ssyncset.done $0x0  }
0x35: {  	[sflag:s30] =	ssyncadd.s32 $0xFFFFE000  }
0x36: {  	_ =	swait.ge [sflag:s31], $0x2000  }
0x37: {  	[sflag:s31] =	ssyncset.done $0x0  }
0x38: {  	[sflag:s31] =	ssyncadd.s32 $0xFFFFE000  }
0x39: {  	_ =	swait.ge [sflag:s0], $0x2000  }
0x3a: {  	s1 =	simm.s32 $0xFFFFFFF8;
	[sflag:s0] =	ssyncset.done $0x0  }
0x3b: {  	s2 =	simm.s32 $0x40;
	s20 =	simm.s32 $0xE040;
	[sflag:s0] =	ssyncadd.s32 $0xFFFFE000  }
.LBB2_2:
0x3c: {  	v0 =	vld [tilespmem:s2+$0xFFFFFFC0];
	_ =	sdelay $0x7  }
0x3d: {  	v1 =	vld.idx.msk [tilespmem:v0+s19+$0x0], $0xffff  }
0x3e: {  	v2 =	vadd.s32 $0x4000, v0;
	_ =	sdelay $0x3  }
0x3f: {  	[tilespmem:s20+$0xFFFFEFC0] =	vst v1  }
0x40: {  	v1 =	vld.idx.msk [tilespmem:v2+s19+$0x0], $0xffff  }
0x41: {  	v0 =	vadd.s32 $0x8000, v0;
	_ =	sdelay $0x3  }
0x42: {  	[tilespmem:s20+$0xFFFFFFC0] =	vst v1  }
0x43: {  	v0 =	vld.idx.msk [tilespmem:v0+s19+$0x0], $0xffff;
	_ =	sdelay $0x4  }
0x44: {  	[tilespmem:s20+$0xFC0] =	vst v0  }
0x45: {  	v0 =	vld [tilespmem:s2+$0xFFFFFFD0];
	_ =	sdelay $0x7  }
0x46: {  	v1 =	vld.idx.msk [tilespmem:v0+s19+$0x0], $0xffff  }
0x47: {  	v57 =	vadd.s32 $0x4000, v0;
	_ =	sdelay $0x3  }
0x48: {  	[tilespmem:s20+$0xFFFFEFD0] =	vst v1  }
0x49: {  	v1 =	vld.idx.msk [tilespmem:v57+s19+$0x0], $0xffff  }
0x4a: {  	v0 =	vadd.s32 $0x8000, v0;
	_ =	sdelay $0x3  }
0x4b: {  	[tilespmem:s20+$0xFFFFFFD0] =	vst v1  }
0x4c: {  	v0 =	vld.idx.msk [tilespmem:v0+s19+$0x0], $0xffff;
	_ =	sdelay $0x4  }
0x4d: {  	[tilespmem:s20+$0xFD0] =	vst v0  }
0x4e: {  	v0 =	vld [tilespmem:s2+$0xFFFFFFE0];
	_ =	sdelay $0x7  }
0x4f: {  	v1 =	vld.idx.msk [tilespmem:v0+s19+$0x0], $0xffff  }
0x50: {  	v58 =	vadd.s32 $0x4000, v0;
	_ =	sdelay $0x3  }
0x51: {  	[tilespmem:s20+$0xFFFFEFE0] =	vst v1  }
0x52: {  	v1 =	vld.idx.msk [tilespmem:v58+s19+$0x0], $0xffff  }
0x53: {  	v0 =	vadd.s32 $0x8000, v0;
	_ =	sdelay $0x3  }
0x54: {  	[tilespmem:s20+$0xFFFFFFE0] =	vst v1  }
0x55: {  	v0 =	vld.idx.msk [tilespmem:v0+s19+$0x0], $0xffff;
	_ =	sdelay $0x4  }
0x56: {  	[tilespmem:s20+$0xFE0] =	vst v0  }
0x57: {  	v0 =	vld [tilespmem:s2+$0xFFFFFFF0];
	_ =	sdelay $0x7  }
0x58: {  	v1 =	vld.idx.msk [tilespmem:v0+s19+$0x0], $0xffff  }
0x59: {  	v59 =	vadd.s32 $0x4000, v0;
	_ =	sdelay $0x3  }
0x5a: {  	[tilespmem:s20+$0xFFFFEFF0] =	vst v1  }
0x5b: {  	v1 =	vld.idx.msk [tilespmem:v59+s19+$0x0], $0xffff  }
0x5c: {  	v0 =	vadd.s32 $0x8000, v0;
	_ =	sdelay $0x3  }
0x5d: {  	[tilespmem:s20+$0xFFFFFFF0] =	vst v1  }
0x5e: {  	v0 =	vld.idx.msk [tilespmem:v0+s19+$0x0], $0xffff;
	_ =	sdelay $0x4  }
0x5f: {  	[tilespmem:s20+$0xFF0] =	vst v0  }
0x60: {  	v0 =	vld [tilespmem:s2+$0x0];
	_ =	sdelay $0x7  }
0x61: {  	v1 =	vld.idx.msk [tilespmem:v0+s19+$0x0], $0xffff  }
0x62: {  	v60 =	vadd.s32 $0x4000, v0;
	_ =	sdelay $0x3  }
0x63: {  	[tilespmem:s20+$0xFFFFF000] =	vst v1  }
0x64: {  	v1 =	vld.idx.msk [tilespmem:v60+s19+$0x0], $0xffff  }
0x65: {  	v0 =	vadd.s32 $0x8000, v0;
	_ =	sdelay $0x3  }
0x66: {  	[tilespmem:s20+$0x0] =	vst v1  }
0x67: {  	v0 =	vld.idx.msk [tilespmem:v0+s19+$0x0], $0xffff;
	_ =	sdelay $0x4  }
0x68: {  	[tilespmem:s20+$0x1000] =	vst v0  }
0x69: {  	v0 =	vld [tilespmem:s2+$0x10];
	_ =	sdelay $0x7  }
0x6a: {  	v1 =	vld.idx.msk [tilespmem:v0+s19+$0x0], $0xffff  }
0x6b: {  	v61 =	vadd.s32 $0x4000, v0;
	_ =	sdelay $0x3  }
0x6c: {  	[tilespmem:s20+$0xFFFFF010] =	vst v1  }
0x6d: {  	v1 =	vld.idx.msk [tilespmem:v61+s19+$0x0], $0xffff  }
0x6e: {  	v0 =	vadd.s32 $0x8000, v0;
	_ =	sdelay $0x3  }
0x6f: {  	[tilespmem:s20+$0x10] =	vst v1  }
0x70: {  	v0 =	vld.idx.msk [tilespmem:v0+s19+$0x0], $0xffff;
	_ =	sdelay $0x4  }
0x71: {  	[tilespmem:s20+$0x1010] =	vst v0  }
0x72: {  	v0 =	vld [tilespmem:s2+$0x20];
	_ =	sdelay $0x7  }
0x73: {  	v1 =	vld.idx.msk [tilespmem:v0+s19+$0x0], $0xffff  }
0x74: {  	v62 =	vadd.s32 $0x4000, v0;
	_ =	sdelay $0x3  }
0x75: {  	[tilespmem:s20+$0xFFFFF020] =	vst v1  }
0x76: {  	v1 =	vld.idx.msk [tilespmem:v62+s19+$0x0], $0xffff  }
0x77: {  	v0 =	vadd.s32 $0x8000, v0;
	_ =	sdelay $0x3  }
0x78: {  	[tilespmem:s20+$0x20] =	vst v1  }
0x79: {  	v0 =	vld.idx.msk [tilespmem:v0+s19+$0x0], $0xffff;
	_ =	sdelay $0x4  }
0x7a: {  	[tilespmem:s20+$0x1020] =	vst v0  }
0x7b: {  	v0 =	vld [tilespmem:s2+$0x30];
	_ =	sdelay $0x7  }
0x7c: {  	v1 =	vld.idx.msk [tilespmem:v0+s19+$0x0], $0xffff  }
0x7d: {  	v63 =	vadd.s32 $0x4000, v0;
	_ =	sdelay $0x3  }
0x7e: {  	[tilespmem:s20+$0xFFFFF030] =	vst v1  }
0x7f: {  	v1 =	vld.idx.msk [tilespmem:v63+s19+$0x0], $0xffff  }
0x80: {  	v0 =	vadd.s32 $0x8000, v0;
	_ =	sdelay $0x3  }
0x81: {  	s1 =	sadd.s32 $0x8, s1;
	[tilespmem:s20+$0x30] =	vst v1  }
0x82: {  	p0 =	slt.u32 s1, $0x78;
	v0 =	vld.idx.msk [tilespmem:v0+s19+$0x0], $0xffff  }
.Ltmp0:
0x83: {  	_ = 	snop;
	(pc) =	sbr.rel @p0 .LBB2_2-.Ltmp0, $2  }
0x84: {  	_ =	sdelay $0x2  }
0x85: {  	s2 =	sadd.s32 $0x80, s2;
	[tilespmem:s20+$0x1030] =	vst v0;
	s20 =	sadd.s32 $0x80, s20  }
0x86: {  	s1 =	simm.s32 $0xD000  }
0x87: {  	[hbm4b:s10+s17] =	stream.strided.scatter [tilespmem:s1], [sflag:$0x2], $0x800, s18, s17, $0x38;
	[tilespmem:$0x10000] =	vst v63  }
0x88: {  	s2 =	simm.s32 $0xE000  }
0x89: {  	[hbm4b:s11+s17] =	stream.strided.scatter [tilespmem:s2], [sflag:$0x3], $0x800, s18, s17, $0x38;
	[tilespmem:$0x10000] =	vst v63  }
0x8a: {  	s20 =	simm.s32 $0xF000  }
0x8b: {  	[hbm4b:s12+s17] =	stream.strided.scatter [tilespmem:s20], [sflag:$0x4], $0x800, s18, s17, $0x38;
	[tilespmem:$0x10000] =	vst v63  }
0x8c: {  	s1 =	simm.s32 $0x78;
	s2 =	simm.s32 $0x870;
	s20 =	simm.s32 $0xE800  }
.LBB2_4:
0x8d: {  	v0 =	vld [tilespmem:s2+$0xFFFFFF90];
	_ =	sdelay $0x7  }
0x8e: {  	v1 =	vld.idx.msk [tilespmem:v0+s19+$0x0], $0xffff  }
0x8f: {  	v2 =	vadd.s32 $0x4000, v0;
	_ =	sdelay $0x3  }
0x90: {  	[tilespmem:s20+$0xFFFFF000] =	vst v1  }
0x91: {  	v1 =	vld.idx.msk [tilespmem:v2+s19+$0x0], $0xffff  }
0x92: {  	v0 =	vadd.s32 $0x8000, v0;
	_ =	sdelay $0x3  }
0x93: {  	[tilespmem:s20+$0x0] =	vst v1  }
0x94: {  	v0 =	vld.idx.msk [tilespmem:v0+s19+$0x0], $0xffff;
	_ =	sdelay $0x4  }
0x95: {  	[tilespmem:s20+$0x1000] =	vst v0  }
0x96: {  	v0 =	vld [tilespmem:s2+$0xFFFFFFA0];
	_ =	sdelay $0x7  }
0x97: {  	v1 =	vld.idx.msk [tilespmem:v0+s19+$0x0], $0xffff  }
0x98: {  	v57 =	vadd.s32 $0x4000, v0;
	_ =	sdelay $0x3  }
0x99: {  	[tilespmem:s20+$0xFFFFF010] =	vst v1  }
0x9a: {  	v1 =	vld.idx.msk [tilespmem:v57+s19+$0x0], $0xffff  }
0x9b: {  	v0 =	vadd.s32 $0x8000, v0;
	_ =	sdelay $0x3  }
0x9c: {  	[tilespmem:s20+$0x10] =	vst v1  }
0x9d: {  	v0 =	vld.idx.msk [tilespmem:v0+s19+$0x0], $0xffff;
	_ =	sdelay $0x4  }
0x9e: {  	[tilespmem:s20+$0x1010] =	vst v0  }
0x9f: {  	v0 =	vld [tilespmem:s2+$0xFFFFFFB0];
	_ =	sdelay $0x7  }
0xa0: {  	v1 =	vld.idx.msk [tilespmem:v0+s19+$0x0], $0xffff  }
0xa1: {  	v58 =	vadd.s32 $0x4000, v0;
	_ =	sdelay $0x3  }
0xa2: {  	[tilespmem:s20+$0xFFFFF020] =	vst v1  }
0xa3: {  	v1 =	vld.idx.msk [tilespmem:v58+s19+$0x0], $0xffff  }
0xa4: {  	v0 =	vadd.s32 $0x8000, v0;
	_ =	sdelay $0x3  }
0xa5: {  	[tilespmem:s20+$0x20] =	vst v1  }
0xa6: {  	v0 =	vld.idx.msk [tilespmem:v0+s19+$0x0], $0xffff;
	_ =	sdelay $0x4  }
0xa7: {  	[tilespmem:s20+$0x1020] =	vst v0  }
0xa8: {  	v0 =	vld [tilespmem:s2+$0xFFFFFFC0];
	_ =	sdelay $0x7  }
0xa9: {  	v1 =	vld.idx.msk [tilespmem:v0+s19+$0x0], $0xffff  }
0xaa: {  	v59 =	vadd.s32 $0x4000, v0;
	_ =	sdelay $0x3  }
0xab: {  	[tilespmem:s20+$0xFFFFF030] =	vst v1  }
0xac: {  	v1 =	vld.idx.msk [tilespmem:v59+s19+$0x0], $0xffff  }
0xad: {  	v0 =	vadd.s32 $0x8000, v0;
	_ =	sdelay $0x3  }
0xae: {  	[tilespmem:s20+$0x30] =	vst v1  }
0xaf: {  	v0 =	vld.idx.msk [tilespmem:v0+s19+$0x0], $0xffff;
	_ =	sdelay $0x4  }
0xb0: {  	[tilespmem:s20+$0x1030] =	vst v0  }
0xb1: {  	v0 =	vld [tilespmem:s2+$0xFFFFFFD0];
	_ =	sdelay $0x7  }
0xb2: {  	v1 =	vld.idx.msk [tilespmem:v0+s19+$0x0], $0xffff  }
0xb3: {  	v60 =	vadd.s32 $0x4000, v0;
	_ =	sdelay $0x3  }
0xb4: {  	[tilespmem:s20+$0xFFFFF040] =	vst v1  }
0xb5: {  	v1 =	vld.idx.msk [tilespmem:v60+s19+$0x0], $0xffff  }
0xb6: {  	v0 =	vadd.s32 $0x8000, v0;
	_ =	sdelay $0x3  }
0xb7: {  	[tilespmem:s20+$0x40] =	vst v1  }
0xb8: {  	v0 =	vld.idx.msk [tilespmem:v0+s19+$0x0], $0xffff;
	_ =	sdelay $0x4  }
0xb9: {  	[tilespmem:s20+$0x1040] =	vst v0  }
0xba: {  	v0 =	vld [tilespmem:s2+$0xFFFFFFE0];
	_ =	sdelay $0x7  }
0xbb: {  	v1 =	vld.idx.msk [tilespmem:v0+s19+$0x0], $0xffff  }
0xbc: {  	v61 =	vadd.s32 $0x4000, v0;
	_ =	sdelay $0x3  }
0xbd: {  	[tilespmem:s20+$0xFFFFF050] =	vst v1  }
0xbe: {  	v1 =	vld.idx.msk [tilespmem:v61+s19+$0x0], $0xffff  }
0xbf: {  	v0 =	vadd.s32 $0x8000, v0;
	_ =	sdelay $0x3  }
0xc0: {  	[tilespmem:s20+$0x50] =	vst v1  }
0xc1: {  	v0 =	vld.idx.msk [tilespmem:v0+s19+$0x0], $0xffff;
	_ =	sdelay $0x4  }
0xc2: {  	[tilespmem:s20+$0x1050] =	vst v0  }
0xc3: {  	v0 =	vld [tilespmem:s2+$0xFFFFFFF0];
	_ =	sdelay $0x7  }
0xc4: {  	v1 =	vld.idx.msk [tilespmem:v0+s19+$0x0], $0xffff  }
0xc5: {  	v62 =	vadd.s32 $0x4000, v0;
	_ =	sdelay $0x3  }
0xc6: {  	[tilespmem:s20+$0xFFFFF060] =	vst v1  }
0xc7: {  	v1 =	vld.idx.msk [tilespmem:v62+s19+$0x0], $0xffff  }
0xc8: {  	v0 =	vadd.s32 $0x8000, v0;
	_ =	sdelay $0x3  }
0xc9: {  	[tilespmem:s20+$0x60] =	vst v1  }
0xca: {  	v0 =	vld.idx.msk [tilespmem:v0+s19+$0x0], $0xffff;
	_ =	sdelay $0x4  }
0xcb: {  	[tilespmem:s20+$0x1060] =	vst v0  }
0xcc: {  	v0 =	vld [tilespmem:s2+$0x0];
	_ =	sdelay $0x7  }
0xcd: {  	v1 =	vld.idx.msk [tilespmem:v0+s19+$0x0], $0xffff  }
0xce: {  	v63 =	vadd.s32 $0x4000, v0;
	_ =	sdelay $0x3  }
0xcf: {  	[tilespmem:s20+$0xFFFFF070] =	vst v1  }
0xd0: {  	v1 =	vld.idx.msk [tilespmem:v63+s19+$0x0], $0xffff  }
0xd1: {  	v0 =	vadd.s32 $0x8000, v0;
	_ =	sdelay $0x3  }
0xd2: {  	s1 =	sadd.s32 $0x8, s1;
	[tilespmem:s20+$0x70] =	vst v1  }
0xd3: {  	p0 =	slt.u32 s1, $0xF8;
	v0 =	vld.idx.msk [tilespmem:v0+s19+$0x0], $0xffff  }
.Ltmp1:
0xd4: {  	_ = 	snop;
	(pc) =	sbr.rel @p0 .LBB2_4-.Ltmp1, $2  }
0xd5: {  	_ =	sdelay $0x2  }
0xd6: {  	s2 =	sadd.s32 $0x80, s2;
	[tilespmem:s20+$0x1070] =	vst v0;
	s20 =	sadd.s32 $0x80, s20  }
0xd7: {  	[hbm4b:s13+s17] =	stream.strided.scatter [tilespmem:s21], [sflag:$0x5], $0x800, s18, s17, $0x38;
	[tilespmem:$0x10000] =	vst v63  }
0xd8: {  	_ = 	snop  }
0xd9: {  	[hbm4b:s14+s17] =	stream.strided.scatter [tilespmem:s22], [sflag:$0x6], $0x800, s18, s17, $0x38;
	[tilespmem:$0x10000] =	vst v63  }
0xda: {  	_ = 	snop  }
0xdb: {  	[hbm4b:s15+s17] =	stream.strided.scatter [tilespmem:s23], [sflag:$0x7], $0x800, s18, s17, $0x38;
	[tilespmem:$0x10000] =	vst v63  }
0xdc: {  	_ =	swait.ge [sflag:s26], $0x800  }
0xdd: {  	[sflag:s26] =	ssyncset.done $0x0  }
0xde: {  	[sflag:s26] =	ssyncadd.s32 $0xFFFFF800  }
0xdf: {  	_ =	swait.ge [sflag:s28], $0x800  }
0xe0: {  	[sflag:s28] =	ssyncset.done $0x0  }
0xe1: {  	[sflag:s28] =	ssyncadd.s32 $0xFFFFF800  }
0xe2: {  	_ =	swait.ge [sflag:s29], $0x800  }
0xe3: {  	[sflag:s29] =	ssyncset.done $0x0  }
0xe4: {  	[sflag:s29] =	ssyncadd.s32 $0xFFFFF800  }
0xe5: {  	_ =	swait.ge [sflag:s30], $0x800  }
0xe6: {  	[sflag:s30] =	ssyncset.done $0x0  }
0xe7: {  	s24 =	sadd.s32 $0x1, s24;
	[sflag:s30] =	ssyncadd.s32 $0xFFFFF800  }
0xe8: {  	p0 =	sne.s32 s24, s16;
	_ =	swait.ge [sflag:s31], $0x800  }
.Ltmp2:
0xe9: {  	[sflag:s31] =	ssyncset.done $0x0;
	(pc) =	sbr.rel @p0 .LBB2_1-.Ltmp2, $4  }
0xea: {  	[sflag:s31] =	ssyncadd.s32 $0xFFFFF800  }
0xeb: {  	_ =	swait.ge [sflag:s0], $0x800  }
0xec: {  	[sflag:s0] =	ssyncset.done $0x0  }
0xed: {  	[sflag:s0] =	ssyncadd.s32 $0xFFFFF800  }
0xee: {  	_ =	sfence.sel $0x180000  }
0xef: {  	[bflag:$0x0] =	sbarrier.arrive $0xFFFF  }
0xf0: {  	_ =	strace $0x90000047  }
0xf1: {  	s0 =	stileid.u32;
	[bflag:$0x2] =	sbarrier.arrive $0xFFFF  }
0xf2: {  	p0 =	sne.s32 s0, $0x0;
	s0 =	rddreg [dreg:$0x3]  }
0xf3: {  	s0 =	sadd.s32 @!p0 $0x100000, s0  }
0xf4: {  	[sflag:s0] =	ssyncadd.tile.s32 @!p0 $0x1;
	_ =	shalt  }
.Lfunc_end2:
_tile_overlayer_lowered:
.L_overlay_start_2:
0xf5: {  	(tag) =	ssettag $0x2  }
0xf6: {  	s0 =	rddreg [dreg:$0x0];
	s2 =	stileid.u32  }
0xf7: {  	s1 =	rddreg [dreg:$0x1];
	p0 =	sne.s32 s2, $0x0  }
0xf8: {  	s3 =	rddreg [dreg:$0x2];
	[bflag:$0x3] =	sbarrier.arrive $0xFFFF;
	s2 =	simm.s32 @!p0 $0x1C08  }
0xf9: {  	[timem:s3], [sflag:s2] =	dma.local @!p0 [hbm:s0], s1  }
0xfa: {  	s0 =	simm.s32 @!p0 $0x8  }
0xfb: {  	_ =	swait.ge @!p0 [sflag:s0], s1  }
0xfc: {  	s1 =	ssub.s32 @!p0 $0x0, s1;
	[sflag:s0] =	ssyncset.done @!p0 $0x0  }
0xfd: {  	[sflag:s0] =	ssyncadd.s32 @!p0 s1  }
0xfe: {  	[bflag:$0x3] =	sbarrier.arrive $0xFFFF  }
0xff: {  	_ =	shalt  }

</sc_bundles>
